<compile_context>
chip_gen: v7x
topology: tpu7x:2x2x1
jax: 0.10.2.dev20260603
libtpu: 0.0.44.dev20260713+nightly
codegen_flags: <defaults>
</compile_context>

<pallas_src>
import functools

import jax
import jax.numpy as jnp
from jax import lax
from jax.experimental import pallas as pl
from jax.experimental.pallas import tpu as pltpu
from jax.experimental.pallas import tpu_sc as plsc

N = 10000
D = 128
E = 320000
NC = 2
NS = 16
NW = NC * NS
CHUNK = 128
CHUNKS = -(-E // (NW * CHUNK))
E_PAD = NW * CHUNKS * CHUNK
DUMP = N
N_PAD = 10240
PER_SUB = N_PAD // NS

_MESH = plsc.VectorSubcoreMesh(core_axis_name="c", subcore_axis_name="s")


DEG_ROWS = N_PAD // CHUNK
DEG_PER_SUB = 8


def _deg_body(dst_hbm, iota_hbm, zeros_hbm, deg_hbm,
              dst_v, iota_v, hist_v, deg_sh):
    c = lax.axis_index("c")
    s = lax.axis_index("s")
    wid = c * NS + s
    zero16 = jnp.zeros((16,), jnp.float32)

    def zbody(i, carry):
        for l in range(CHUNK // 16):
            hist_v[i, pl.ds(l * 16, 16)] = zero16
        return carry

    lax.fori_loop(0, DEG_ROWS, zbody, 0)
    @pl.when(s < DEG_ROWS // DEG_PER_SUB)
    def _():
        pltpu.sync_copy(zeros_hbm, deg_sh.at[pl.ds(s * DEG_PER_SUB, DEG_PER_SUB)])
    pltpu.sync_copy(dst_hbm.at[wid], dst_v)
    pltpu.sync_copy(iota_hbm, iota_v)
    ones16 = jnp.full((16,), 1.0, jnp.float32)

    def body(j, carry):
        for l in range(CHUNK // 16):
            idx16 = dst_v[j, pl.ds(l * 16, 16)]
            r = lax.shift_right_logical(idx16, 7)
            col = lax.bitwise_and(idx16, 127)
            plsc.addupdate_scatter(hist_v, [r, col], ones16)
        return carry

    lax.fori_loop(0, CHUNKS, body, 0)
    plsc.subcore_barrier()
    pltpu.sync_copy(hist_v, deg_sh.at[iota_v.at[0]], add=True)
    plsc.subcore_barrier()

    @pl.when(s < DEG_ROWS // DEG_PER_SUB)
    def _():
        sl = pl.ds(s * DEG_PER_SUB, DEG_PER_SUB)
        pltpu.sync_copy(deg_sh.at[sl],
                        deg_hbm.at[pl.ds(c * DEG_ROWS + s * DEG_PER_SUB, DEG_PER_SUB)])


_deg_call = functools.partial(
    pl.kernel,
    out_type=jax.ShapeDtypeStruct((NC * DEG_ROWS, CHUNK), jnp.float32),
    mesh=_MESH,
    scratch_types=[
        pltpu.VMEM((CHUNKS, CHUNK), jnp.int32),
        pltpu.VMEM((1, DEG_ROWS), jnp.int32),
        pltpu.VMEM((DEG_ROWS, CHUNK), jnp.float32),
        pltpu.VMEM_SHARED((DEG_ROWS, CHUNK), jnp.float32),
    ],
    compiler_params=pltpu.CompilerParams(needs_layout_passes=False),
)(_deg_body)


def _edge_body(src_hbm, dst_hbm, h2_hbm, zeros_hbm, acc_hbm,
               src_v, dst_v, rows_a, acc_sh, sem_a):
    c = lax.axis_index("c")
    s = lax.axis_index("s")
    wid = c * NS + s
    for k in range(PER_SUB // CHUNK):
        pltpu.sync_copy(zeros_hbm, acc_sh.at[pl.ds(s * PER_SUB + k * CHUNK, CHUNK)])
    pltpu.sync_copy(src_hbm.at[wid], src_v)
    pltpu.sync_copy(dst_hbm.at[wid], dst_v)
    plsc.subcore_barrier()

    def body(j, carry):
        pltpu.async_copy(h2_hbm.at[src_v.at[j]], rows_a, sem_a).wait()
        pltpu.sync_copy(rows_a, acc_sh.at[dst_v.at[j]], add=True)
        return carry

    lax.fori_loop(0, CHUNKS, body, 0)
    plsc.subcore_barrier()
    sl = pl.ds(s * PER_SUB, PER_SUB)
    pltpu.sync_copy(acc_sh.at[sl], acc_hbm.at[pl.ds(c * N_PAD + s * PER_SUB, PER_SUB)])


_edge_call = functools.partial(
    pl.kernel,
    out_type=jax.ShapeDtypeStruct((NC * N_PAD, D), jnp.float32),
    mesh=_MESH,
    scratch_types=[
        pltpu.VMEM((CHUNKS, CHUNK), jnp.int32),
        pltpu.VMEM((CHUNKS, CHUNK), jnp.int32),
        pltpu.VMEM((CHUNK, D), jnp.float32),
        pltpu.VMEM_SHARED((N_PAD, D), jnp.float32),
        pltpu.SemaphoreType.DMA,
    ],
)(_edge_body)


def _h2_body(x_ref, w_ref, d0_ref, d1_ref, o_ref):
    deg = d0_ref[...] + d1_ref[...] + 1.0
    dinv = lax.rsqrt(deg)
    h = jnp.dot(x_ref[...], w_ref[...], preferred_element_type=jnp.float32)
    o_ref[...] = h * dinv


_h2_call = pl.pallas_call(
    _h2_body,
    out_shape=jax.ShapeDtypeStruct((N, D), jnp.float32),
)


def _bn_body(h2_ref, a0_ref, a1_ref, d0_ref, d1_ref, g_ref, bt_ref, o_ref):
    deg = d0_ref[...] + d1_ref[...] + 1.0
    dinv = lax.rsqrt(deg)
    pre = (h2_ref[...] + a0_ref[...] + a1_ref[...]) * dinv
    mean = jnp.mean(pre, axis=0, keepdims=True)
    cent = pre - mean
    var = jnp.mean(cent * cent, axis=0, keepdims=True)
    y = cent * lax.rsqrt(var + 1e-5) * g_ref[...] + bt_ref[...]
    o_ref[...] = jnp.maximum(y, 0.0)


_bn_call = pl.pallas_call(
    _bn_body,
    out_shape=jax.ShapeDtypeStruct((N, D), jnp.float32),
)


def kernel(x, W, b, gamma, beta, edge_index_t):
    del b
    src = edge_index_t[0].astype(jnp.int32)
    dst = edge_index_t[1].astype(jnp.int32)
    pad = E_PAD - E
    src_g = jnp.concatenate([src, jnp.zeros((pad,), jnp.int32)]).reshape(NW, CHUNKS, CHUNK)
    dst_g = jnp.concatenate([dst, jnp.full((pad,), DUMP, jnp.int32)]).reshape(NW, CHUNKS, CHUNK)
    iota80 = jnp.arange(DEG_ROWS, dtype=jnp.int32).reshape(1, DEG_ROWS)
    zeros5 = jnp.zeros((DEG_PER_SUB, CHUNK), jnp.float32)
    zerosD = jnp.zeros((CHUNK, D), jnp.float32)

    degp = _deg_call(dst_g, iota80, zeros5)
    d0 = degp[:DEG_ROWS].reshape(N_PAD, 1)[:N]
    d1 = degp[DEG_ROWS:].reshape(N_PAD, 1)[:N]
    h2 = _h2_call(x, W, d0, d1)
    accp = _edge_call(src_g, dst_g, h2, zerosD)
    out = _bn_call(h2, accp[:N], accp[N_PAD:N_PAD + N], d0, d1,
                   gamma.reshape(1, D), beta.reshape(1, D))
    return out

# --- scband reference (transcript-rebuilt; emitter-appended) ---
"""Pipeline reference for scband-gcnlayer-85375359910350 (READ-ONLY COPY).

The authoritative reference and input builder live on the scoring server;
editing this copy changes nothing except your own understanding.
"""

import jax, jax.numpy as jnp
import numpy as np

N_NODES = 10000
IN_DIM = 128
HID_DIM = 128
N_EDGES = 320000


def setup_inputs(seed: int = 0) -> dict:
    key = jax.random.key(seed)
    k_x, k_e, k_w, k_b, k_g, k_bt = jax.random.split(key, 6)
    x = jax.random.normal(k_x, (N_NODES, IN_DIM), dtype=jnp.float32)
    edge_index_t = jax.random.randint(k_e, (2, N_EDGES), 0, N_NODES, dtype=jnp.int64)
    # GCNConv linear weight (glorot-like) and bias
    W = jax.random.normal(k_w, (IN_DIM, HID_DIM), dtype=jnp.float32) * (1.0 / np.sqrt(IN_DIM))
    b = jnp.zeros((HID_DIM,), dtype=jnp.float32)
    # BatchNorm affine params
    gamma = jnp.ones((HID_DIM,), dtype=jnp.float32)
    beta = jnp.zeros((HID_DIM,), dtype=jnp.float32)
    return {"x": x, "W": W, "b": b, "gamma": gamma, "beta": beta, "edge_index_t": edge_index_t}


def reference(x, W, b, gamma, beta, edge_index_t):
    N = x.shape[0]
    # --- GCNConv (add self-loops, symmetric normalization) ---
    src = edge_index_t[0]
    dst = edge_index_t[1]
    loop = jnp.arange(N, dtype=src.dtype)
    src = jnp.concatenate([src, loop], axis=0)
    dst = jnp.concatenate([dst, loop], axis=0)
    deg = jnp.zeros((N,), dtype=x.dtype).at[dst].add(1.0)
    deg_inv_sqrt = jnp.where(deg > 0, deg ** -0.5, 0.0)
    norm = deg_inv_sqrt[src] * deg_inv_sqrt[dst]
    h = x @ W
    msgs = h[src] * norm[:, None]
    out = jnp.zeros((N, h.shape[1]), dtype=h.dtype).at[dst].add(msgs)
    out = out + b
    # --- BatchNorm1d (training-mode batch statistics) ---
    mean = jnp.mean(out, axis=0)
    var = jnp.var(out, axis=0)
    out = (out - mean) / jnp.sqrt(var + 1e-5) * gamma + beta
    # --- ReLU ---
    return jax.nn.relu(out)

if __name__ == "__main__":
    import jax
    _d = setup_inputs()
    print(jax.jit(kernel)(*tuple(_d.values())))

</pallas_src>

<mosaic_0001>
#map = affine_map<(d0, d1) -> (0, 0, 0)>
#map1 = affine_map<(d0, d1) -> (0, 0)>
module attributes {stable_mosaic.version = 14 : i64} {
  func.func @_edge_body(%arg0: i32, %arg1: i32, %arg2: memref<32x79x128xi32, #tpu.memory_space<hbm>>, %arg3: memref<32x79x128xi32, #tpu.memory_space<hbm>>, %arg4: memref<10000x128xf32, #tpu.memory_space<hbm>>, %arg5: memref<128x128xf32, #tpu.memory_space<hbm>>, %arg6: memref<20480x128xf32, #tpu.memory_space<hbm>>, %arg7: memref<79x128xi32, #tpu.memory_space<vmem>>, %arg8: memref<79x128xi32, #tpu.memory_space<vmem>>, %arg9: memref<128x128xf32, #tpu.memory_space<vmem>>, %arg10: memref<10240x128xf32, #tpu.memory_space<vmem_shared>>, %arg11: memref<!tpu.dma_semaphore, #tpu.memory_space<semaphore_mem>>) attributes {dimension_semantics = [#tpu.dimension_semantics<core_parallel>, #tpu.dimension_semantics<subcore_parallel>], iteration_bounds = array<i64: 2, 16>, scalar_prefetch = 0 : i64, scratch_operands = 5 : i64, tpu.core_type = #tpu.core_type<sc_vector_subcore>, window_params = [{transform_indices = #map}, {transform_indices = #map}, {transform_indices = #map1}, {transform_indices = #map1}, {transform_indices = #map1}]} {
    %mul3A = arith.constant 16 : i32
    %mul3A_0 = arith.muli %arg0, %mul3A : i32
    %add3A = arith.addi %mul3A_0, %arg1 : i32
    %mul3A_1 = arith.constant 640 : i32
    %mul3A_2 = arith.muli %arg1, %mul3A_1 : i32
    %add3A_3 = arith.constant 0 : i32
    %add3A_4 = arith.addi %mul3A_2, %add3A_3 : i32
    "tpu.region"() ({
      %run_scoped3A = tpu.sem_alloc : memref<!tpu.dma_semaphore, #tpu.memory_space<semaphore_mem>>
      %dma_start3A = arith.constant 0 : i32
      %dma_start3A_34 = tpu.memref_slice %arg10[%add3A_4, %dma_start3A] : memref<10240x128xf32, #tpu.memory_space<vmem_shared>> -> memref<128x128xf32, #tpu.memory_space<vmem_shared>>
      tpu.enqueue_dma source(%arg5 : memref<128x128xf32, #tpu.memory_space<hbm>>) target(%dma_start3A_34 : memref<128x128xf32, #tpu.memory_space<vmem_shared>>) target_semaphore(%run_scoped3A : memref<!tpu.dma_semaphore, #tpu.memory_space<semaphore_mem>>)
      %dma_wait3A = arith.constant 0 : i32
      %dma_wait3A_35 = tpu.memref_slice %arg10[%add3A_4, %dma_wait3A] : memref<10240x128xf32, #tpu.memory_space<vmem_shared>> -> memref<128x128xf32, #tpu.memory_space<vmem_shared>>
      tpu.wait_dma2 semaphore(%run_scoped3A : memref<!tpu.dma_semaphore, #tpu.memory_space<semaphore_mem>>) src(%arg5 : memref<128x128xf32, #tpu.memory_space<hbm>>) dst(%dma_wait3A_35 : memref<128x128xf32, #tpu.memory_space<vmem_shared>>)
      tpu.yield
    }) : () -> ()
    %mul3A_5 = arith.constant 640 : i32
    %mul3A_6 = arith.muli %arg1, %mul3A_5 : i32
    %add3A_7 = arith.constant 128 : i32
    %add3A_8 = arith.addi %mul3A_6, %add3A_7 : i32
    "tpu.region"() ({
      %run_scoped3A = tpu.sem_alloc : memref<!tpu.dma_semaphore, #tpu.memory_space<semaphore_mem>>
      %dma_start3A = arith.constant 0 : i32
      %dma_start3A_34 = tpu.memref_slice %arg10[%add3A_8, %dma_start3A] : memref<10240x128xf32, #tpu.memory_space<vmem_shared>> -> memref<128x128xf32, #tpu.memory_space<vmem_shared>>
      tpu.enqueue_dma source(%arg5 : memref<128x128xf32, #tpu.memory_space<hbm>>) target(%dma_start3A_34 : memref<128x128xf32, #tpu.memory_space<vmem_shared>>) target_semaphore(%run_scoped3A : memref<!tpu.dma_semaphore, #tpu.memory_space<semaphore_mem>>)
      %dma_wait3A = arith.constant 0 : i32
      %dma_wait3A_35 = tpu.memref_slice %arg10[%add3A_8, %dma_wait3A] : memref<10240x128xf32, #tpu.memory_space<vmem_shared>> -> memref<128x128xf32, #tpu.memory_space<vmem_shared>>
      tpu.wait_dma2 semaphore(%run_scoped3A : memref<!tpu.dma_semaphore, #tpu.memory_space<semaphore_mem>>) src(%arg5 : memref<128x128xf32, #tpu.memory_space<hbm>>) dst(%dma_wait3A_35 : memref<128x128xf32, #tpu.memory_space<vmem_shared>>)
      tpu.yield
    }) : () -> ()
    %mul3A_9 = arith.constant 640 : i32
    %mul3A_10 = arith.muli %arg1, %mul3A_9 : i32
    %add3A_11 = arith.constant 256 : i32
    %add3A_12 = arith.addi %mul3A_10, %add3A_11 : i32
    "tpu.region"() ({
      %run_scoped3A = tpu.sem_alloc : memref<!tpu.dma_semaphore, #tpu.memory_space<semaphore_mem>>
      %dma_start3A = arith.constant 0 : i32
      %dma_start3A_34 = tpu.memref_slice %arg10[%add3A_12, %dma_start3A] : memref<10240x128xf32, #tpu.memory_space<vmem_shared>> -> memref<128x128xf32, #tpu.memory_space<vmem_shared>>
      tpu.enqueue_dma source(%arg5 : memref<128x128xf32, #tpu.memory_space<hbm>>) target(%dma_start3A_34 : memref<128x128xf32, #tpu.memory_space<vmem_shared>>) target_semaphore(%run_scoped3A : memref<!tpu.dma_semaphore, #tpu.memory_space<semaphore_mem>>)
      %dma_wait3A = arith.constant 0 : i32
      %dma_wait3A_35 = tpu.memref_slice %arg10[%add3A_12, %dma_wait3A] : memref<10240x128xf32, #tpu.memory_space<vmem_shared>> -> memref<128x128xf32, #tpu.memory_space<vmem_shared>>
      tpu.wait_dma2 semaphore(%run_scoped3A : memref<!tpu.dma_semaphore, #tpu.memory_space<semaphore_mem>>) src(%arg5 : memref<128x128xf32, #tpu.memory_space<hbm>>) dst(%dma_wait3A_35 : memref<128x128xf32, #tpu.memory_space<vmem_shared>>)
      tpu.yield
    }) : () -> ()
    %mul3A_13 = arith.constant 640 : i32
    %mul3A_14 = arith.muli %arg1, %mul3A_13 : i32
    %add3A_15 = arith.constant 384 : i32
    %add3A_16 = arith.addi %mul3A_14, %add3A_15 : i32
    "tpu.region"() ({
      %run_scoped3A = tpu.sem_alloc : memref<!tpu.dma_semaphore, #tpu.memory_space<semaphore_mem>>
      %dma_start3A = arith.constant 0 : i32
      %dma_start3A_34 = tpu.memref_slice %arg10[%add3A_16, %dma_start3A] : memref<10240x128xf32, #tpu.memory_space<vmem_shared>> -> memref<128x128xf32, #tpu.memory_space<vmem_shared>>
      tpu.enqueue_dma source(%arg5 : memref<128x128xf32, #tpu.memory_space<hbm>>) target(%dma_start3A_34 : memref<128x128xf32, #tpu.memory_space<vmem_shared>>) target_semaphore(%run_scoped3A : memref<!tpu.dma_semaphore, #tpu.memory_space<semaphore_mem>>)
      %dma_wait3A = arith.constant 0 : i32
      %dma_wait3A_35 = tpu.memref_slice %arg10[%add3A_16, %dma_wait3A] : memref<10240x128xf32, #tpu.memory_space<vmem_shared>> -> memref<128x128xf32, #tpu.memory_space<vmem_shared>>
      tpu.wait_dma2 semaphore(%run_scoped3A : memref<!tpu.dma_semaphore, #tpu.memory_space<semaphore_mem>>) src(%arg5 : memref<128x128xf32, #tpu.memory_space<hbm>>) dst(%dma_wait3A_35 : memref<128x128xf32, #tpu.memory_space<vmem_shared>>)
      tpu.yield
    }) : () -> ()
    %mul3A_17 = arith.constant 640 : i32
    %mul3A_18 = arith.muli %arg1, %mul3A_17 : i32
    %add3A_19 = arith.constant 512 : i32
    %add3A_20 = arith.addi %mul3A_18, %add3A_19 : i32
    "tpu.region"() ({
      %run_scoped3A = tpu.sem_alloc : memref<!tpu.dma_semaphore, #tpu.memory_space<semaphore_mem>>
      %dma_start3A = arith.constant 0 : i32
      %dma_start3A_34 = tpu.memref_slice %arg10[%add3A_20, %dma_start3A] : memref<10240x128xf32, #tpu.memory_space<vmem_shared>> -> memref<128x128xf32, #tpu.memory_space<vmem_shared>>
      tpu.enqueue_dma source(%arg5 : memref<128x128xf32, #tpu.memory_space<hbm>>) target(%dma_start3A_34 : memref<128x128xf32, #tpu.memory_space<vmem_shared>>) target_semaphore(%run_scoped3A : memref<!tpu.dma_semaphore, #tpu.memory_space<semaphore_mem>>)
      %dma_wait3A = arith.constant 0 : i32
      %dma_wait3A_35 = tpu.memref_slice %arg10[%add3A_20, %dma_wait3A] : memref<10240x128xf32, #tpu.memory_space<vmem_shared>> -> memref<128x128xf32, #tpu.memory_space<vmem_shared>>
      tpu.wait_dma2 semaphore(%run_scoped3A : memref<!tpu.dma_semaphore, #tpu.memory_space<semaphore_mem>>) src(%arg5 : memref<128x128xf32, #tpu.memory_space<hbm>>) dst(%dma_wait3A_35 : memref<128x128xf32, #tpu.memory_space<vmem_shared>>)
      tpu.yield
    }) : () -> ()
    "tpu.region"() ({
      %run_scoped3A = tpu.sem_alloc : memref<!tpu.dma_semaphore, #tpu.memory_space<semaphore_mem>>
      %dma_start3A = arith.constant 0 : i32
      %dma_start3A_34 = arith.constant 0 : i32
      %dma_start3A_35 = tpu.memref_slice %arg2[%add3A, %dma_start3A, %dma_start3A_34] : memref<32x79x128xi32, #tpu.memory_space<hbm>> -> memref<1x79x128xi32, #tpu.memory_space<hbm>>
      %dma_start3A_36 = tpu.memref_squeeze %dma_start3A_35 : memref<1x79x128xi32, #tpu.memory_space<hbm>> -> memref<79x128xi32, #tpu.memory_space<hbm>>
      %dma_start3A_37 = arith.constant 0 : i32
      %dma_start3A_38 = arith.constant 0 : i32
      %dma_start3A_39 = tpu.memref_slice %arg2[%add3A, %dma_start3A_37, %dma_start3A_38] : memref<32x79x128xi32, #tpu.memory_space<hbm>> -> memref<1x79x128xi32, #tpu.memory_space<hbm>>
      %dma_start3A_40 = tpu.memref_squeeze %dma_start3A_39 : memref<1x79x128xi32, #tpu.memory_space<hbm>> -> memref<79x128xi32, #tpu.memory_space<hbm>>
      tpu.enqueue_dma source(%dma_start3A_40 : memref<79x128xi32, #tpu.memory_space<hbm>>) target(%arg7 : memref<79x128xi32, #tpu.memory_space<vmem>>) target_semaphore(%run_scoped3A : memref<!tpu.dma_semaphore, #tpu.memory_space<semaphore_mem>>)
      %dma_wait3A = arith.constant 0 : i32
      %dma_wait3A_41 = arith.constant 0 : i32
      %dma_wait3A_42 = tpu.memref_slice %arg2[%add3A, %dma_wait3A, %dma_wait3A_41] : memref<32x79x128xi32, #tpu.memory_space<hbm>> -> memref<1x79x128xi32, #tpu.memory_space<hbm>>
      %dma_wait3A_43 = tpu.memref_squeeze %dma_wait3A_42 : memref<1x79x128xi32, #tpu.memory_space<hbm>> -> memref<79x128xi32, #tpu.memory_space<hbm>>
      %dma_wait3A_44 = arith.constant 0 : i32
      %dma_wait3A_45 = arith.constant 0 : i32
      %dma_wait3A_46 = tpu.memref_slice %arg2[%add3A, %dma_wait3A_44, %dma_wait3A_45] : memref<32x79x128xi32, #tpu.memory_space<hbm>> -> memref<1x79x128xi32, #tpu.memory_space<hbm>>
      %dma_wait3A_47 = tpu.memref_squeeze %dma_wait3A_46 : memref<1x79x128xi32, #tpu.memory_space<hbm>> -> memref<79x128xi32, #tpu.memory_space<hbm>>
      tpu.wait_dma2 semaphore(%run_scoped3A : memref<!tpu.dma_semaphore, #tpu.memory_space<semaphore_mem>>) src(%dma_wait3A_47 : memref<79x128xi32, #tpu.memory_space<hbm>>) dst(%arg7 : memref<79x128xi32, #tpu.memory_space<vmem>>)
      tpu.yield
    }) : () -> ()
    "tpu.region"() ({
      %run_scoped3A = tpu.sem_alloc : memref<!tpu.dma_semaphore, #tpu.memory_space<semaphore_mem>>
      %dma_start3A = arith.constant 0 : i32
      %dma_start3A_34 = arith.constant 0 : i32
      %dma_start3A_35 = tpu.memref_slice %arg3[%add3A, %dma_start3A, %dma_start3A_34] : memref<32x79x128xi32, #tpu.memory_space<hbm>> -> memref<1x79x128xi32, #tpu.memory_space<hbm>>
      %dma_start3A_36 = tpu.memref_squeeze %dma_start3A_35 : memref<1x79x128xi32, #tpu.memory_space<hbm>> -> memref<79x128xi32, #tpu.memory_space<hbm>>
      %dma_start3A_37 = arith.constant 0 : i32
      %dma_start3A_38 = arith.constant 0 : i32
      %dma_start3A_39 = tpu.memref_slice %arg3[%add3A, %dma_start3A_37, %dma_start3A_38] : memref<32x79x128xi32, #tpu.memory_space<hbm>> -> memref<1x79x128xi32, #tpu.memory_space<hbm>>
      %dma_start3A_40 = tpu.memref_squeeze %dma_start3A_39 : memref<1x79x128xi32, #tpu.memory_space<hbm>> -> memref<79x128xi32, #tpu.memory_space<hbm>>
      tpu.enqueue_dma source(%dma_start3A_40 : memref<79x128xi32, #tpu.memory_space<hbm>>) target(%arg8 : memref<79x128xi32, #tpu.memory_space<vmem>>) target_semaphore(%run_scoped3A : memref<!tpu.dma_semaphore, #tpu.memory_space<semaphore_mem>>)
      %dma_wait3A = arith.constant 0 : i32
      %dma_wait3A_41 = arith.constant 0 : i32
      %dma_wait3A_42 = tpu.memref_slice %arg3[%add3A, %dma_wait3A, %dma_wait3A_41] : memref<32x79x128xi32, #tpu.memory_space<hbm>> -> memref<1x79x128xi32, #tpu.memory_space<hbm>>
      %dma_wait3A_43 = tpu.memref_squeeze %dma_wait3A_42 : memref<1x79x128xi32, #tpu.memory_space<hbm>> -> memref<79x128xi32, #tpu.memory_space<hbm>>
      %dma_wait3A_44 = arith.constant 0 : i32
      %dma_wait3A_45 = arith.constant 0 : i32
      %dma_wait3A_46 = tpu.memref_slice %arg3[%add3A, %dma_wait3A_44, %dma_wait3A_45] : memref<32x79x128xi32, #tpu.memory_space<hbm>> -> memref<1x79x128xi32, #tpu.memory_space<hbm>>
      %dma_wait3A_47 = tpu.memref_squeeze %dma_wait3A_46 : memref<1x79x128xi32, #tpu.memory_space<hbm>> -> memref<79x128xi32, #tpu.memory_space<hbm>>
      tpu.wait_dma2 semaphore(%run_scoped3A : memref<!tpu.dma_semaphore, #tpu.memory_space<semaphore_mem>>) src(%dma_wait3A_47 : memref<79x128xi32, #tpu.memory_space<hbm>>) dst(%arg8 : memref<79x128xi32, #tpu.memory_space<vmem>>)
      tpu.yield
    }) : () -> ()
    %barrier3A = arith.constant 0 : index
    tpu.barrier barrier_id(%barrier3A)
    %scan3A = arith.constant 0 : i32
    %scan3A_21 = arith.constant 0 : i32
    %scan3A_22 = arith.constant 79 : i32
    %scan3A_23 = arith.addi %scan3A_21, %scan3A_22 : i32
    %scan3A_24 = arith.constant 1 : i32
    scf.for %scan3A_34 = %scan3A_21 to %scan3A_23 step %scan3A_24  : i32 {
      %dma_start3A = arith.constant 0 : i32
      %dma_start3A_35 = tpu.memref_slice %arg7[%scan3A_34, %dma_start3A] : memref<79x128xi32, #tpu.memory_space<vmem>> -> memref<1x128xi32, #tpu.memory_space<vmem>>
      %dma_start3A_36 = tpu.memref_squeeze %dma_start3A_35 : memref<1x128xi32, #tpu.memory_space<vmem>> -> memref<128xi32, #tpu.memory_space<vmem>>
      %dma_start3A_37 = arith.constant 0 : i32
      %dma_start3A_38 = arith.constant 0 : i32
      %dma_start3A_39 = tpu.memref_slice %arg4[%dma_start3A_37, %dma_start3A_38] : memref<10000x128xf32, #tpu.memory_space<hbm>> -> memref<10000x128xf32, #tpu.memory_space<hbm>>
      tpu.enqueue_indirect_dma source(%dma_start3A_39 : memref<10000x128xf32, #tpu.memory_space<hbm>>) target(%arg9 : memref<128x128xf32, #tpu.memory_space<vmem>>) offsets(%dma_start3A_36 : memref<128xi32, #tpu.memory_space<vmem>>) semaphore(%arg11 : memref<!tpu.dma_semaphore, #tpu.memory_space<semaphore_mem>>)
      %dma_wait3A = arith.constant 0 : i32
      %dma_wait3A_40 = tpu.memref_slice %arg7[%scan3A_34, %dma_wait3A] : memref<79x128xi32, #tpu.memory_space<vmem>> -> memref<1x128xi32, #tpu.memory_space<vmem>>
      %dma_wait3A_41 = tpu.memref_squeeze %dma_wait3A_40 : memref<1x128xi32, #tpu.memory_space<vmem>> -> memref<128xi32, #tpu.memory_space<vmem>>
      %dma_wait3A_42 = arith.constant 0 : i32
      %dma_wait3A_43 = arith.constant 0 : i32
      %dma_wait3A_44 = tpu.memref_slice %arg4[%dma_wait3A_42, %dma_wait3A_43] : memref<10000x128xf32, #tpu.memory_space<hbm>> -> memref<10000x128xf32, #tpu.memory_space<hbm>>
      tpu.wait_indirect_dma semaphore(%arg11 : memref<!tpu.dma_semaphore, #tpu.memory_space<semaphore_mem>>) src(%dma_wait3A_44 : memref<10000x128xf32, #tpu.memory_space<hbm>>) dst(%arg9 : memref<128x128xf32, #tpu.memory_space<vmem>>)
      "tpu.region"() ({
        %run_scoped3A = tpu.sem_alloc : memref<!tpu.dma_semaphore, #tpu.memory_space<semaphore_mem>>
        %dma_start3A_45 = arith.constant 0 : i32
        %dma_start3A_46 = tpu.memref_slice %arg8[%scan3A_34, %dma_start3A_45] : memref<79x128xi32, #tpu.memory_space<vmem>> -> memref<1x128xi32, #tpu.memory_space<vmem>>
        %dma_start3A_47 = tpu.memref_squeeze %dma_start3A_46 : memref<1x128xi32, #tpu.memory_space<vmem>> -> memref<128xi32, #tpu.memory_space<vmem>>
        %dma_start3A_48 = arith.constant 0 : i32
        %dma_start3A_49 = arith.constant 0 : i32
        %dma_start3A_50 = tpu.memref_slice %arg10[%dma_start3A_48, %dma_start3A_49] : memref<10240x128xf32, #tpu.memory_space<vmem_shared>> -> memref<10240x128xf32, #tpu.memory_space<vmem_shared>>
        tpu.enqueue_indirect_dma source(%arg9 : memref<128x128xf32, #tpu.memory_space<vmem>>) target(%dma_start3A_50 : memref<10240x128xf32, #tpu.memory_space<vmem_shared>>) offsets(%dma_start3A_47 : memref<128xi32, #tpu.memory_space<vmem>>) semaphore(%run_scoped3A : memref<!tpu.dma_semaphore, #tpu.memory_space<semaphore_mem>>) {add = true}
        %dma_wait3A_51 = arith.constant 0 : i32
        %dma_wait3A_52 = tpu.memref_slice %arg8[%scan3A_34, %dma_wait3A_51] : memref<79x128xi32, #tpu.memory_space<vmem>> -> memref<1x128xi32, #tpu.memory_space<vmem>>
        %dma_wait3A_53 = tpu.memref_squeeze %dma_wait3A_52 : memref<1x128xi32, #tpu.memory_space<vmem>> -> memref<128xi32, #tpu.memory_space<vmem>>
        %dma_wait3A_54 = arith.constant 0 : i32
        %dma_wait3A_55 = arith.constant 0 : i32
        %dma_wait3A_56 = tpu.memref_slice %arg10[%dma_wait3A_54, %dma_wait3A_55] : memref<10240x128xf32, #tpu.memory_space<vmem_shared>> -> memref<10240x128xf32, #tpu.memory_space<vmem_shared>>
        tpu.wait_indirect_dma semaphore(%run_scoped3A : memref<!tpu.dma_semaphore, #tpu.memory_space<semaphore_mem>>) src(%arg9 : memref<128x128xf32, #tpu.memory_space<vmem>>) dst(%dma_wait3A_56 : memref<10240x128xf32, #tpu.memory_space<vmem_shared>>)
        tpu.yield
      }) : () -> ()
    }
    %scan3A_25 = arith.constant 79 : i32
    %barrier3A_26 = arith.constant 0 : index
    tpu.barrier barrier_id(%barrier3A_26)
    %mul3A_27 = arith.constant 640 : i32
    %mul3A_28 = arith.muli %arg1, %mul3A_27 : i32
    %mul3A_29 = arith.constant 10240 : i32
    %mul3A_30 = arith.muli %arg0, %mul3A_29 : i32
    %mul3A_31 = arith.constant 640 : i32
    %mul3A_32 = arith.muli %arg1, %mul3A_31 : i32
    %add3A_33 = arith.addi %mul3A_30, %mul3A_32 : i32
    "tpu.region"() ({
      %run_scoped3A = tpu.sem_alloc : memref<!tpu.dma_semaphore, #tpu.memory_space<semaphore_mem>>
      %dma_start3A = arith.constant 0 : i32
      %dma_start3A_34 = tpu.memref_slice %arg6[%add3A_33, %dma_start3A] : memref<20480x128xf32, #tpu.memory_space<hbm>> -> memref<640x128xf32, #tpu.memory_space<hbm>>
      %dma_start3A_35 = arith.constant 0 : i32
      %dma_start3A_36 = tpu.memref_slice %arg10[%mul3A_28, %dma_start3A_35] : memref<10240x128xf32, #tpu.memory_space<vmem_shared>> -> memref<640x128xf32, #tpu.memory_space<vmem_shared>>
      tpu.enqueue_dma source(%dma_start3A_36 : memref<640x128xf32, #tpu.memory_space<vmem_shared>>) target(%dma_start3A_34 : memref<640x128xf32, #tpu.memory_space<hbm>>) target_semaphore(%run_scoped3A : memref<!tpu.dma_semaphore, #tpu.memory_space<semaphore_mem>>)
      %dma_wait3A = arith.constant 0 : i32
      %dma_wait3A_37 = tpu.memref_slice %arg6[%add3A_33, %dma_wait3A] : memref<20480x128xf32, #tpu.memory_space<hbm>> -> memref<640x128xf32, #tpu.memory_space<hbm>>
      %dma_wait3A_38 = arith.constant 0 : i32
      %dma_wait3A_39 = tpu.memref_slice %arg10[%mul3A_28, %dma_wait3A_38] : memref<10240x128xf32, #tpu.memory_space<vmem_shared>> -> memref<640x128xf32, #tpu.memory_space<vmem_shared>>
      tpu.wait_dma2 semaphore(%run_scoped3A : memref<!tpu.dma_semaphore, #tpu.memory_space<semaphore_mem>>) src(%dma_wait3A_39 : memref<640x128xf32, #tpu.memory_space<vmem_shared>>) dst(%dma_wait3A_37 : memref<640x128xf32, #tpu.memory_space<hbm>>)
      tpu.yield
    }) : () -> ()
    return
  }
}

#map = affine_map<(d0, d1) -> (0, 0, 0)>
#map1 = affine_map<(d0, d1) -> (0, 0)>
module attributes {stable_mosaic.version = 14 : i64} {
  func.func @_deg_body(%arg0: i32, %arg1: i32, %arg2: memref<32x79x128xi32, #tpu.memory_space<hbm>>, %arg3: memref<1x80xi32, #tpu.memory_space<hbm>>, %arg4: memref<8x128xf32, #tpu.memory_space<hbm>>, %arg5: memref<160x128xf32, #tpu.memory_space<hbm>>, %arg6: memref<79x128xi32, #tpu.memory_space<vmem>>, %arg7: memref<1x80xi32, #tpu.memory_space<vmem>>, %arg8: memref<80x128xf32, #tpu.memory_space<vmem>>, %arg9: memref<80x128xf32, #tpu.memory_space<vmem_shared>>) attributes {dimension_semantics = [#tpu.dimension_semantics<core_parallel>, #tpu.dimension_semantics<subcore_parallel>], iteration_bounds = array<i64: 2, 16>, scalar_prefetch = 0 : i64, scratch_operands = 4 : i64, tpu.core_type = #tpu.core_type<sc_vector_subcore>, window_params = [{transform_indices = #map}, {transform_indices = #map1}, {transform_indices = #map1}, {transform_indices = #map1}]} {
    %mul3A = arith.constant 16 : i32
    %mul3A_0 = arith.muli %arg0, %mul3A : i32
    %add3A = arith.addi %mul3A_0, %arg1 : i32
    %broadcast_in_dim3A = arith.constant 0.000000e+00 : f32
    %broadcast_in_dim3A_1 = vector.broadcast %broadcast_in_dim3A : f32 to vector<16xf32>
    %scan3A = arith.constant 0 : i32
    %scan3A_2 = arith.constant 0 : i32
    %scan3A_3 = arith.constant 80 : i32
    %scan3A_4 = arith.addi %scan3A_2, %scan3A_3 : i32
    %scan3A_5 = arith.constant 1 : i32
    scf.for %scan3A_23 = %scan3A_2 to %scan3A_4 step %scan3A_5  : i32 {
      %swap3A = arith.index_cast %scan3A_23 : i32 to index
      %swap3A_24 = arith.constant 0 : index
      %swap3A_25 = tpu.vector_load %arg8[%swap3A, %swap3A_24] {strides = array<i32>} : memref<80x128xf32, #tpu.memory_space<vmem>>, vector<16xf32>,
      tpu.vector_store %arg8[%swap3A, %swap3A_24], %broadcast_in_dim3A_1 {strides = array<i32>} : memref<80x128xf32, #tpu.memory_space<vmem>>, vector<16xf32>,
      %swap3A_26 = arith.index_cast %scan3A_23 : i32 to index
      %swap3A_27 = arith.constant 16 : index
      %swap3A_28 = tpu.vector_load %arg8[%swap3A_26, %swap3A_27] {strides = array<i32>} : memref<80x128xf32, #tpu.memory_space<vmem>>, vector<16xf32>,
      tpu.vector_store %arg8[%swap3A_26, %swap3A_27], %broadcast_in_dim3A_1 {strides = array<i32>} : memref<80x128xf32, #tpu.memory_space<vmem>>, vector<16xf32>,
      %swap3A_29 = arith.index_cast %scan3A_23 : i32 to index
      %swap3A_30 = arith.constant 32 : index
      %swap3A_31 = tpu.vector_load %arg8[%swap3A_29, %swap3A_30] {strides = array<i32>} : memref<80x128xf32, #tpu.memory_space<vmem>>, vector<16xf32>,
      tpu.vector_store %arg8[%swap3A_29, %swap3A_30], %broadcast_in_dim3A_1 {strides = array<i32>} : memref<80x128xf32, #tpu.memory_space<vmem>>, vector<16xf32>,
      %swap3A_32 = arith.index_cast %scan3A_23 : i32 to index
      %swap3A_33 = arith.constant 48 : index
      %swap3A_34 = tpu.vector_load %arg8[%swap3A_32, %swap3A_33] {strides = array<i32>} : memref<80x128xf32, #tpu.memory_space<vmem>>, vector<16xf32>,
      tpu.vector_store %arg8[%swap3A_32, %swap3A_33], %broadcast_in_dim3A_1 {strides = array<i32>} : memref<80x128xf32, #tpu.memory_space<vmem>>, vector<16xf32>,
      %swap3A_35 = arith.index_cast %scan3A_23 : i32 to index
      %swap3A_36 = arith.constant 64 : index
      %swap3A_37 = tpu.vector_load %arg8[%swap3A_35, %swap3A_36] {strides = array<i32>} : memref<80x128xf32, #tpu.memory_space<vmem>>, vector<16xf32>,
      tpu.vector_store %arg8[%swap3A_35, %swap3A_36], %broadcast_in_dim3A_1 {strides = array<i32>} : memref<80x128xf32, #tpu.memory_space<vmem>>, vector<16xf32>,
      %swap3A_38 = arith.index_cast %scan3A_23 : i32 to index
      %swap3A_39 = arith.constant 80 : index
      %swap3A_40 = tpu.vector_load %arg8[%swap3A_38, %swap3A_39] {strides = array<i32>} : memref<80x128xf32, #tpu.memory_space<vmem>>, vector<16xf32>,
      tpu.vector_store %arg8[%swap3A_38, %swap3A_39], %broadcast_in_dim3A_1 {strides = array<i32>} : memref<80x128xf32, #tpu.memory_space<vmem>>, vector<16xf32>,
      %swap3A_41 = arith.index_cast %scan3A_23 : i32 to index
      %swap3A_42 = arith.constant 96 : index
      %swap3A_43 = tpu.vector_load %arg8[%swap3A_41, %swap3A_42] {strides = array<i32>} : memref<80x128xf32, #tpu.memory_space<vmem>>, vector<16xf32>,
      tpu.vector_store %arg8[%swap3A_41, %swap3A_42], %broadcast_in_dim3A_1 {strides = array<i32>} : memref<80x128xf32, #tpu.memory_space<vmem>>, vector<16xf32>,
      %swap3A_44 = arith.index_cast %scan3A_23 : i32 to index
      %swap3A_45 = arith.constant 112 : index
      %swap3A_46 = tpu.vector_load %arg8[%swap3A_44, %swap3A_45] {strides = array<i32>} : memref<80x128xf32, #tpu.memory_space<vmem>>, vector<16xf32>,
      tpu.vector_store %arg8[%swap3A_44, %swap3A_45], %broadcast_in_dim3A_1 {strides = array<i32>} : memref<80x128xf32, #tpu.memory_space<vmem>>, vector<16xf32>,
    }
    %scan3A_6 = arith.constant 80 : i32
    %lt3A = arith.constant 10 : i32
    %lt3A_7 = arith.cmpi slt, %arg1, %lt3A : i32
    %convert_element_type3A = arith.extui %lt3A_7 : i1 to i32
    %cond3A = arith.constant 0 : i32
    %cond3A_8 = arith.cmpi ne, %convert_element_type3A, %cond3A : i32
    scf.if %cond3A_8 {
      %mul3A_23 = arith.constant 8 : i32
      %mul3A_24 = arith.muli %arg1, %mul3A_23 : i32
      "tpu.region"() ({
        %run_scoped3A_25 = tpu.sem_alloc : memref<!tpu.dma_semaphore, #tpu.memory_space<semaphore_mem>>
        %dma_start3A = arith.constant 0 : i32
        %dma_start3A_26 = tpu.memref_slice %arg9[%mul3A_24, %dma_start3A] : memref<80x128xf32, #tpu.memory_space<vmem_shared>> -> memref<8x128xf32, #tpu.memory_space<vmem_shared>>
        tpu.enqueue_dma source(%arg4 : memref<8x128xf32, #tpu.memory_space<hbm>>) target(%dma_start3A_26 : memref<8x128xf32, #tpu.memory_space<vmem_shared>>) target_semaphore(%run_scoped3A_25 : memref<!tpu.dma_semaphore, #tpu.memory_space<semaphore_mem>>)
        %dma_wait3A = arith.constant 0 : i32
        %dma_wait3A_27 = tpu.memref_slice %arg9[%mul3A_24, %dma_wait3A] : memref<80x128xf32, #tpu.memory_space<vmem_shared>> -> memref<8x128xf32, #tpu.memory_space<vmem_shared>>
        tpu.wait_dma2 semaphore(%run_scoped3A_25 : memref<!tpu.dma_semaphore, #tpu.memory_space<semaphore_mem>>) src(%arg4 : memref<8x128xf32, #tpu.memory_space<hbm>>) dst(%dma_wait3A_27 : memref<8x128xf32, #tpu.memory_space<vmem_shared>>)
        tpu.yield
      }) : () -> ()
    } else {
    }
    "tpu.region"() ({
      %run_scoped3A_23 = tpu.sem_alloc : memref<!tpu.dma_semaphore, #tpu.memory_space<semaphore_mem>>
      %dma_start3A = arith.constant 0 : i32
      %dma_start3A_24 = arith.constant 0 : i32
      %dma_start3A_25 = tpu.memref_slice %arg2[%add3A, %dma_start3A, %dma_start3A_24] : memref<32x79x128xi32, #tpu.memory_space<hbm>> -> memref<1x79x128xi32, #tpu.memory_space<hbm>>
      %dma_start3A_26 = tpu.memref_squeeze %dma_start3A_25 : memref<1x79x128xi32, #tpu.memory_space<hbm>> -> memref<79x128xi32, #tpu.memory_space<hbm>>
      %dma_start3A_27 = arith.constant 0 : i32
      %dma_start3A_28 = arith.constant 0 : i32
      %dma_start3A_29 = tpu.memref_slice %arg2[%add3A, %dma_start3A_27, %dma_start3A_28] : memref<32x79x128xi32, #tpu.memory_space<hbm>> -> memref<1x79x128xi32, #tpu.memory_space<hbm>>
      %dma_start3A_30 = tpu.memref_squeeze %dma_start3A_29 : memref<1x79x128xi32, #tpu.memory_space<hbm>> -> memref<79x128xi32, #tpu.memory_space<hbm>>
      tpu.enqueue_dma source(%dma_start3A_30 : memref<79x128xi32, #tpu.memory_space<hbm>>) target(%arg6 : memref<79x128xi32, #tpu.memory_space<vmem>>) target_semaphore(%run_scoped3A_23 : memref<!tpu.dma_semaphore, #tpu.memory_space<semaphore_mem>>)
      %dma_wait3A = arith.constant 0 : i32
      %dma_wait3A_31 = arith.constant 0 : i32
      %dma_wait3A_32 = tpu.memref_slice %arg2[%add3A, %dma_wait3A, %dma_wait3A_31] : memref<32x79x128xi32, #tpu.memory_space<hbm>> -> memref<1x79x128xi32, #tpu.memory_space<hbm>>
      %dma_wait3A_33 = tpu.memref_squeeze %dma_wait3A_32 : memref<1x79x128xi32, #tpu.memory_space<hbm>> -> memref<79x128xi32, #tpu.memory_space<hbm>>
      %dma_wait3A_34 = arith.constant 0 : i32
      %dma_wait3A_35 = arith.constant 0 : i32
      %dma_wait3A_36 = tpu.memref_slice %arg2[%add3A, %dma_wait3A_34, %dma_wait3A_35] : memref<32x79x128xi32, #tpu.memory_space<hbm>> -> memref<1x79x128xi32, #tpu.memory_space<hbm>>
      %dma_wait3A_37 = tpu.memref_squeeze %dma_wait3A_36 : memref<1x79x128xi32, #tpu.memory_space<hbm>> -> memref<79x128xi32, #tpu.memory_space<hbm>>
      tpu.wait_dma2 semaphore(%run_scoped3A_23 : memref<!tpu.dma_semaphore, #tpu.memory_space<semaphore_mem>>) src(%dma_wait3A_37 : memref<79x128xi32, #tpu.memory_space<hbm>>) dst(%arg6 : memref<79x128xi32, #tpu.memory_space<vmem>>)
      tpu.yield
    }) : () -> ()
    "tpu.region"() ({
      %run_scoped3A_23 = tpu.sem_alloc : memref<!tpu.dma_semaphore, #tpu.memory_space<semaphore_mem>>
      tpu.enqueue_dma source(%arg3 : memref<1x80xi32, #tpu.memory_space<hbm>>) target(%arg7 : memref<1x80xi32, #tpu.memory_space<vmem>>) target_semaphore(%run_scoped3A_23 : memref<!tpu.dma_semaphore, #tpu.memory_space<semaphore_mem>>)
      tpu.wait_dma2 semaphore(%run_scoped3A_23 : memref<!tpu.dma_semaphore, #tpu.memory_space<semaphore_mem>>) src(%arg3 : memref<1x80xi32, #tpu.memory_space<hbm>>) dst(%arg7 : memref<1x80xi32, #tpu.memory_space<vmem>>)
      tpu.yield
    }) : () -> ()
    %broadcast_in_dim3A_9 = arith.constant 1.000000e+00 : f32
    %broadcast_in_dim3A_10 = vector.broadcast %broadcast_in_dim3A_9 : f32 to vector<16xf32>
    %scan3A_11 = arith.constant 0 : i32
    %scan3A_12 = arith.constant 0 : i32
    %scan3A_13 = arith.constant 79 : i32
    %scan3A_14 = arith.addi %scan3A_12, %scan3A_13 : i32
    %scan3A_15 = arith.constant 1 : i32
    scf.for %scan3A_23 = %scan3A_12 to %scan3A_14 step %scan3A_15  : i32 {
      %get3A = arith.index_cast %scan3A_23 : i32 to index
      %get3A_24 = arith.constant 0 : index
      %get3A_25 = tpu.vector_load %arg6[%get3A, %get3A_24] {strides = array<i32>} : memref<79x128xi32, #tpu.memory_space<vmem>>, vector<16xi32>,
      %shift_right_logical3A = arith.constant 7 : i32
      %shift_right_logical3A_26 = vector.broadcast %shift_right_logical3A : i32 to vector<16xi32>
      %shift_right_logical3A_27 = arith.shrui %get3A_25, %shift_right_logical3A_26 : vector<16xi32>
      %and3A = arith.constant 127 : i32
      %and3A_28 = vector.broadcast %and3A : i32 to vector<16xi32>
      %and3A_29 = arith.andi %get3A_25, %and3A_28 : vector<16xi32>
      tpu.vector_store_idx %arg8[%shift_right_logical3A_27, %and3A_29], %broadcast_in_dim3A_10 {add = true} : memref<80x128xf32, #tpu.memory_space<vmem>>[vector<16xi32>, vector<16xi32>], vector<16xf32>,
      %get3A_30 = arith.index_cast %scan3A_23 : i32 to index
      %get3A_31 = arith.constant 16 : index
      %get3A_32 = tpu.vector_load %arg6[%get3A_30, %get3A_31] {strides = array<i32>} : memref<79x128xi32, #tpu.memory_space<vmem>>, vector<16xi32>,
      %shift_right_logical3A_33 = arith.constant 7 : i32
      %shift_right_logical3A_34 = vector.broadcast %shift_right_logical3A_33 : i32 to vector<16xi32>
      %shift_right_logical3A_35 = arith.shrui %get3A_32, %shift_right_logical3A_34 : vector<16xi32>
      %and3A_36 = arith.constant 127 : i32
      %and3A_37 = vector.broadcast %and3A_36 : i32 to vector<16xi32>
      %and3A_38 = arith.andi %get3A_32, %and3A_37 : vector<16xi32>
      tpu.vector_store_idx %arg8[%shift_right_logical3A_35, %and3A_38], %broadcast_in_dim3A_10 {add = true} : memref<80x128xf32, #tpu.memory_space<vmem>>[vector<16xi32>, vector<16xi32>], vector<16xf32>,
      %get3A_39 = arith.index_cast %scan3A_23 : i32 to index
      %get3A_40 = arith.constant 32 : index
      %get3A_41 = tpu.vector_load %arg6[%get3A_39, %get3A_40] {strides = array<i32>} : memref<79x128xi32, #tpu.memory_space<vmem>>, vector<16xi32>,
      %shift_right_logical3A_42 = arith.constant 7 : i32
      %shift_right_logical3A_43 = vector.broadcast %shift_right_logical3A_42 : i32 to vector<16xi32>
      %shift_right_logical3A_44 = arith.shrui %get3A_41, %shift_right_logical3A_43 : vector<16xi32>
      %and3A_45 = arith.constant 127 : i32
      %and3A_46 = vector.broadcast %and3A_45 : i32 to vector<16xi32>
      %and3A_47 = arith.andi %get3A_41, %and3A_46 : vector<16xi32>
      tpu.vector_store_idx %arg8[%shift_right_logical3A_44, %and3A_47], %broadcast_in_dim3A_10 {add = true} : memref<80x128xf32, #tpu.memory_space<vmem>>[vector<16xi32>, vector<16xi32>], vector<16xf32>,
      %get3A_48 = arith.index_cast %scan3A_23 : i32 to index
      %get3A_49 = arith.constant 48 : index
      %get3A_50 = tpu.vector_load %arg6[%get3A_48, %get3A_49] {strides = array<i32>} : memref<79x128xi32, #tpu.memory_space<vmem>>, vector<16xi32>,
      %shift_right_logical3A_51 = arith.constant 7 : i32
      %shift_right_logical3A_52 = vector.broadcast %shift_right_logical3A_51 : i32 to vector<16xi32>
      %shift_right_logical3A_53 = arith.shrui %get3A_50, %shift_right_logical3A_52 : vector<16xi32>
      %and3A_54 = arith.constant 127 : i32
      %and3A_55 = vector.broadcast %and3A_54 : i32 to vector<16xi32>
      %and3A_56 = arith.andi %get3A_50, %and3A_55 : vector<16xi32>
      tpu.vector_store_idx %arg8[%shift_right_logical3A_53, %and3A_56], %broadcast_in_dim3A_10 {add = true} : memref<80x128xf32, #tpu.memory_space<vmem>>[vector<16xi32>, vector<16xi32>], vector<16xf32>,
      %get3A_57 = arith.index_cast %scan3A_23 : i32 to index
      %get3A_58 = arith.constant 64 : index
      %get3A_59 = tpu.vector_load %arg6[%get3A_57, %get3A_58] {strides = array<i32>} : memref<79x128xi32, #tpu.memory_space<vmem>>, vector<16xi32>,
      %shift_right_logical3A_60 = arith.constant 7 : i32
      %shift_right_logical3A_61 = vector.broadcast %shift_right_logical3A_60 : i32 to vector<16xi32>
      %shift_right_logical3A_62 = arith.shrui %get3A_59, %shift_right_logical3A_61 : vector<16xi32>
      %and3A_63 = arith.constant 127 : i32
      %and3A_64 = vector.broadcast %and3A_63 : i32 to vector<16xi32>
      %and3A_65 = arith.andi %get3A_59, %and3A_64 : vector<16xi32>
      tpu.vector_store_idx %arg8[%shift_right_logical3A_62, %and3A_65], %broadcast_in_dim3A_10 {add = true} : memref<80x128xf32, #tpu.memory_space<vmem>>[vector<16xi32>, vector<16xi32>], vector<16xf32>,
      %get3A_66 = arith.index_cast %scan3A_23 : i32 to index
      %get3A_67 = arith.constant 80 : index
      %get3A_68 = tpu.vector_load %arg6[%get3A_66, %get3A_67] {strides = array<i32>} : memref<79x128xi32, #tpu.memory_space<vmem>>, vector<16xi32>,
      %shift_right_logical3A_69 = arith.constant 7 : i32
      %shift_right_logical3A_70 = vector.broadcast %shift_right_logical3A_69 : i32 to vector<16xi32>
      %shift_right_logical3A_71 = arith.shrui %get3A_68, %shift_right_logical3A_70 : vector<16xi32>
      %and3A_72 = arith.constant 127 : i32
      %and3A_73 = vector.broadcast %and3A_72 : i32 to vector<16xi32>
      %and3A_74 = arith.andi %get3A_68, %and3A_73 : vector<16xi32>
      tpu.vector_store_idx %arg8[%shift_right_logical3A_71, %and3A_74], %broadcast_in_dim3A_10 {add = true} : memref<80x128xf32, #tpu.memory_space<vmem>>[vector<16xi32>, vector<16xi32>], vector<16xf32>,
      %get3A_75 = arith.index_cast %scan3A_23 : i32 to index
      %get3A_76 = arith.constant 96 : index
      %get3A_77 = tpu.vector_load %arg6[%get3A_75, %get3A_76] {strides = array<i32>} : memref<79x128xi32, #tpu.memory_space<vmem>>, vector<16xi32>,
      %shift_right_logical3A_78 = arith.constant 7 : i32
      %shift_right_logical3A_79 = vector.broadcast %shift_right_logical3A_78 : i32 to vector<16xi32>
      %shift_right_logical3A_80 = arith.shrui %get3A_77, %shift_right_logical3A_79 : vector<16xi32>
      %and3A_81 = arith.constant 127 : i32
      %and3A_82 = vector.broadcast %and3A_81 : i32 to vector<16xi32>
      %and3A_83 = arith.andi %get3A_77, %and3A_82 : vector<16xi32>
      tpu.vector_store_idx %arg8[%shift_right_logical3A_80, %and3A_83], %broadcast_in_dim3A_10 {add = true} : memref<80x128xf32, #tpu.memory_space<vmem>>[vector<16xi32>, vector<16xi32>], vector<16xf32>,
      %get3A_84 = arith.index_cast %scan3A_23 : i32 to index
      %get3A_85 = arith.constant 112 : index
      %get3A_86 = tpu.vector_load %arg6[%get3A_84, %get3A_85] {strides = array<i32>} : memref<79x128xi32, #tpu.memory_space<vmem>>, vector<16xi32>,
      %shift_right_logical3A_87 = arith.constant 7 : i32
      %shift_right_logical3A_88 = vector.broadcast %shift_right_logical3A_87 : i32 to vector<16xi32>
      %shift_right_logical3A_89 = arith.shrui %get3A_86, %shift_right_logical3A_88 : vector<16xi32>
      %and3A_90 = arith.constant 127 : i32
      %and3A_91 = vector.broadcast %and3A_90 : i32 to vector<16xi32>
      %and3A_92 = arith.andi %get3A_86, %and3A_91 : vector<16xi32>
      tpu.vector_store_idx %arg8[%shift_right_logical3A_89, %and3A_92], %broadcast_in_dim3A_10 {add = true} : memref<80x128xf32, #tpu.memory_space<vmem>>[vector<16xi32>, vector<16xi32>], vector<16xf32>,
    }
    %scan3A_16 = arith.constant 79 : i32
    %barrier3A = arith.constant 0 : index
    tpu.barrier barrier_id(%barrier3A)
    %run_scoped3A = arith.constant 0 : i32
    "tpu.region"() ({
      %run_scoped3A_23 = tpu.sem_alloc : memref<!tpu.dma_semaphore, #tpu.memory_space<semaphore_mem>>
      %dma_start3A = arith.constant 0 : i32
      %dma_start3A_24 = tpu.memref_slice %arg7[%run_scoped3A, %dma_start3A] : memref<1x80xi32, #tpu.memory_space<vmem>> -> memref<1x80xi32, #tpu.memory_space<vmem>>
      %dma_start3A_25 = tpu.memref_squeeze %dma_start3A_24 : memref<1x80xi32, #tpu.memory_space<vmem>> -> memref<80xi32, #tpu.memory_space<vmem>>
      %dma_start3A_26 = arith.constant 0 : i32
      %dma_start3A_27 = arith.constant 0 : i32
      %dma_start3A_28 = tpu.memref_slice %arg9[%dma_start3A_26, %dma_start3A_27] : memref<80x128xf32, #tpu.memory_space<vmem_shared>> -> memref<80x128xf32, #tpu.memory_space<vmem_shared>>
      tpu.enqueue_indirect_dma source(%arg8 : memref<80x128xf32, #tpu.memory_space<vmem>>) target(%dma_start3A_28 : memref<80x128xf32, #tpu.memory_space<vmem_shared>>) offsets(%dma_start3A_25 : memref<80xi32, #tpu.memory_space<vmem>>) semaphore(%run_scoped3A_23 : memref<!tpu.dma_semaphore, #tpu.memory_space<semaphore_mem>>) {add = true}
      %dma_wait3A = arith.constant 0 : i32
      %dma_wait3A_29 = tpu.memref_slice %arg7[%run_scoped3A, %dma_wait3A] : memref<1x80xi32, #tpu.memory_space<vmem>> -> memref<1x80xi32, #tpu.memory_space<vmem>>
      %dma_wait3A_30 = tpu.memref_squeeze %dma_wait3A_29 : memref<1x80xi32, #tpu.memory_space<vmem>> -> memref<80xi32, #tpu.memory_space<vmem>>
      %dma_wait3A_31 = arith.constant 0 : i32
      %dma_wait3A_32 = arith.constant 0 : i32
      %dma_wait3A_33 = tpu.memref_slice %arg9[%dma_wait3A_31, %dma_wait3A_32] : memref<80x128xf32, #tpu.memory_space<vmem_shared>> -> memref<80x128xf32, #tpu.memory_space<vmem_shared>>
      tpu.wait_indirect_dma semaphore(%run_scoped3A_23 : memref<!tpu.dma_semaphore, #tpu.memory_space<semaphore_mem>>) src(%arg8 : memref<80x128xf32, #tpu.memory_space<vmem>>) dst(%dma_wait3A_33 : memref<80x128xf32, #tpu.memory_space<vmem_shared>>)
      tpu.yield
    }) : () -> ()
    %barrier3A_17 = arith.constant 0 : index
    tpu.barrier barrier_id(%barrier3A_17)
    %lt3A_18 = arith.constant 10 : i32
    %lt3A_19 = arith.cmpi slt, %arg1, %lt3A_18 : i32
    %convert_element_type3A_20 = arith.extui %lt3A_19 : i1 to i32
    %cond3A_21 = arith.constant 0 : i32
    %cond3A_22 = arith.cmpi ne, %convert_element_type3A_20, %cond3A_21 : i32
    scf.if %cond3A_22 {
      %mul3A_23 = arith.constant 8 : i32
      %mul3A_24 = arith.muli %arg1, %mul3A_23 : i32
      %mul3A_25 = arith.constant 80 : i32
      %mul3A_26 = arith.muli %arg0, %mul3A_25 : i32
      %mul3A_27 = arith.constant 8 : i32
      %mul3A_28 = arith.muli %arg1, %mul3A_27 : i32
      %add3A_29 = arith.addi %mul3A_26, %mul3A_28 : i32
      "tpu.region"() ({
        %run_scoped3A_30 = tpu.sem_alloc : memref<!tpu.dma_semaphore, #tpu.memory_space<semaphore_mem>>
        %dma_start3A = arith.constant 0 : i32
        %dma_start3A_31 = tpu.memref_slice %arg5[%add3A_29, %dma_start3A] : memref<160x128xf32, #tpu.memory_space<hbm>> -> memref<8x128xf32, #tpu.memory_space<hbm>>
        %dma_start3A_32 = arith.constant 0 : i32
        %dma_start3A_33 = tpu.memref_slice %arg9[%mul3A_24, %dma_start3A_32] : memref<80x128xf32, #tpu.memory_space<vmem_shared>> -> memref<8x128xf32, #tpu.memory_space<vmem_shared>>
        tpu.enqueue_dma source(%dma_start3A_33 : memref<8x128xf32, #tpu.memory_space<vmem_shared>>) target(%dma_start3A_31 : memref<8x128xf32, #tpu.memory_space<hbm>>) target_semaphore(%run_scoped3A_30 : memref<!tpu.dma_semaphore, #tpu.memory_space<semaphore_mem>>)
        %dma_wait3A = arith.constant 0 : i32
        %dma_wait3A_34 = tpu.memref_slice %arg5[%add3A_29, %dma_wait3A] : memref<160x128xf32, #tpu.memory_space<hbm>> -> memref<8x128xf32, #tpu.memory_space<hbm>>
        %dma_wait3A_35 = arith.constant 0 : i32
        %dma_wait3A_36 = tpu.memref_slice %arg9[%mul3A_24, %dma_wait3A_35] : memref<80x128xf32, #tpu.memory_space<vmem_shared>> -> memref<8x128xf32, #tpu.memory_space<vmem_shared>>
        tpu.wait_dma2 semaphore(%run_scoped3A_30 : memref<!tpu.dma_semaphore, #tpu.memory_space<semaphore_mem>>) src(%dma_wait3A_36 : memref<8x128xf32, #tpu.memory_space<vmem_shared>>) dst(%dma_wait3A_34 : memref<8x128xf32, #tpu.memory_space<hbm>>)
        tpu.yield
      }) : () -> ()
    } else {
    }
    return
  }
}

module attributes {stable_mosaic.version = 14 : i64} {
  func.func @_h2_body(%arg0: memref<10000x128xf32, #tpu.memory_space<vmem>>, %arg1: memref<128x128xf32, #tpu.memory_space<vmem>>, %arg2: memref<10000x1xf32, #tpu.memory_space<vmem>>, %arg3: memref<10000x1xf32, #tpu.memory_space<vmem>>, %arg4: memref<10000x128xf32, #tpu.memory_space<vmem>>) attributes {dimension_semantics = [], scalar_prefetch = 0 : i64, scratch_operands = 0 : i64, tpu.core_type = #tpu.core_type<tc>} {
    %get3A = arith.constant 0 : index
    %get3A_0 = arith.constant 0 : index
    %get3A_1 = vector.load %arg2[%get3A, %get3A_0] : memref<10000x1xf32, #tpu.memory_space<vmem>>, vector<10000x1xf32>
    %get3A_2 = arith.constant 0 : index
    %get3A_3 = arith.constant 0 : index
    %get3A_4 = vector.load %arg3[%get3A_2, %get3A_3] : memref<10000x1xf32, #tpu.memory_space<vmem>>, vector<10000x1xf32>
    %add3A = arith.addf %get3A_1, %get3A_4 : vector<10000x1xf32>
    %add3A_5 = arith.constant 1.000000e+00 : f32
    %add3A_6 = vector.broadcast %add3A_5 : f32 to vector<10000x1xf32>
    %add3A_7 = arith.addf %add3A, %add3A_6 : vector<10000x1xf32>
    %rsqrt3A = math.rsqrt %add3A_7 : vector<10000x1xf32>
    %get3A_8 = arith.constant 0 : index
    %get3A_9 = arith.constant 0 : index
    %get3A_10 = vector.load %arg0[%get3A_8, %get3A_9] : memref<10000x128xf32, #tpu.memory_space<vmem>>, vector<10000x128xf32>
    %get3A_11 = arith.constant 0 : index
    %get3A_12 = arith.constant 0 : index
    %get3A_13 = vector.load %arg1[%get3A_11, %get3A_12] : memref<128x128xf32, #tpu.memory_space<vmem>>, vector<128x128xf32>
    %dot_general3A = arith.constant dense<0.000000e+00> : vector<10000x128xf32>
    %dot_general3A_14 = tpu.matmul %get3A_10, %get3A_13, %dot_general3A {dimension_numbers = #tpu.dot_dimension_numbers<[1], [0], [0], [1], [0, 0, 1, 1], [], []>, transpose_lhs_hint = false} : vector<10000x128xf32>, vector<128x128xf32>, vector<10000x128xf32> -> vector<10000x128xf32>
    %mul3A = vector.broadcast %rsqrt3A : vector<10000x1xf32> to vector<10000x128xf32>
    %mul3A_15 = arith.mulf %dot_general3A_14, %mul3A : vector<10000x128xf32>
    %swap3A = arith.constant 0 : index
    %swap3A_16 = arith.constant 0 : index
    %swap3A_17 = vector.load %arg4[%swap3A, %swap3A_16] : memref<10000x128xf32, #tpu.memory_space<vmem>>, vector<10000x128xf32>
    tpu.vector_store %arg4[%swap3A, %swap3A_16], %mul3A_15 {strides = array<i32>} : memref<10000x128xf32, #tpu.memory_space<vmem>>, vector<10000x128xf32>,
    return
  }
}

module attributes {stable_mosaic.version = 14 : i64} {
  func.func @_bn_body(%arg0: memref<10000x128xf32, #tpu.memory_space<vmem>>, %arg1: memref<10000x128xf32, #tpu.memory_space<vmem>>, %arg2: memref<10000x128xf32, #tpu.memory_space<vmem>>, %arg3: memref<10000x1xf32, #tpu.memory_space<vmem>>, %arg4: memref<10000x1xf32, #tpu.memory_space<vmem>>, %arg5: memref<1x128xf32, #tpu.memory_space<vmem>>, %arg6: memref<1x128xf32, #tpu.memory_space<vmem>>, %arg7: memref<10000x128xf32, #tpu.memory_space<vmem>>) attributes {dimension_semantics = [], scalar_prefetch = 0 : i64, scratch_operands = 0 : i64, tpu.core_type = #tpu.core_type<tc>} {
    %get3A = arith.constant 0 : index
    %get3A_0 = arith.constant 0 : index
    %get3A_1 = vector.load %arg3[%get3A, %get3A_0] : memref<10000x1xf32, #tpu.memory_space<vmem>>, vector<10000x1xf32>
    %get3A_2 = arith.constant 0 : index
    %get3A_3 = arith.constant 0 : index
    %get3A_4 = vector.load %arg4[%get3A_2, %get3A_3] : memref<10000x1xf32, #tpu.memory_space<vmem>>, vector<10000x1xf32>
    %add3A = arith.addf %get3A_1, %get3A_4 : vector<10000x1xf32>
    %add3A_5 = arith.constant 1.000000e+00 : f32
    %add3A_6 = vector.broadcast %add3A_5 : f32 to vector<10000x1xf32>
    %add3A_7 = arith.addf %add3A, %add3A_6 : vector<10000x1xf32>
    %rsqrt3A = math.rsqrt %add3A_7 : vector<10000x1xf32>
    %get3A_8 = arith.constant 0 : index
    %get3A_9 = arith.constant 0 : index
    %get3A_10 = vector.load %arg0[%get3A_8, %get3A_9] : memref<10000x128xf32, #tpu.memory_space<vmem>>, vector<10000x128xf32>
    %get3A_11 = arith.constant 0 : index
    %get3A_12 = arith.constant 0 : index
    %get3A_13 = vector.load %arg1[%get3A_11, %get3A_12] : memref<10000x128xf32, #tpu.memory_space<vmem>>, vector<10000x128xf32>
    %add3A_14 = arith.addf %get3A_10, %get3A_13 : vector<10000x128xf32>
    %get3A_15 = arith.constant 0 : index
    %get3A_16 = arith.constant 0 : index
    %get3A_17 = vector.load %arg2[%get3A_15, %get3A_16] : memref<10000x128xf32, #tpu.memory_space<vmem>>, vector<10000x128xf32>
    %add3A_18 = arith.addf %add3A_14, %get3A_17 : vector<10000x128xf32>
    %mul3A = vector.broadcast %rsqrt3A : vector<10000x1xf32> to vector<10000x128xf32>
    %mul3A_19 = arith.mulf %add3A_18, %mul3A : vector<10000x128xf32>
    %reduce_sum3A = arith.constant dense<0.000000e+00> : vector<128xf32>
    %reduce_sum3A_20 = vector.multi_reduction <add>, %mul3A_19, %reduce_sum3A [0] : vector<10000x128xf32> to vector<128xf32>
    %broadcast_in_dim3A = vector.shape_cast %reduce_sum3A_20 : vector<128xf32> to vector<1x128xf32>
    %div3A = arith.constant 1.000000e+04 : f32
    %div3A_21 = vector.broadcast %div3A : f32 to vector<1x128xf32>
    %div3A_22 = arith.divf %broadcast_in_dim3A, %div3A_21 : vector<1x128xf32>
    %sub3A = vector.broadcast %div3A_22 : vector<1x128xf32> to vector<10000x128xf32>
    %sub3A_23 = arith.subf %mul3A_19, %sub3A : vector<10000x128xf32>
    %mul3A_24 = arith.mulf %sub3A_23, %sub3A_23 : vector<10000x128xf32>
    %reduce_sum3A_25 = arith.constant dense<0.000000e+00> : vector<128xf32>
    %reduce_sum3A_26 = vector.multi_reduction <add>, %mul3A_24, %reduce_sum3A_25 [0] : vector<10000x128xf32> to vector<128xf32>
    %broadcast_in_dim3A_27 = vector.shape_cast %reduce_sum3A_26 : vector<128xf32> to vector<1x128xf32>
    %div3A_28 = arith.constant 1.000000e+04 : f32
    %div3A_29 = vector.broadcast %div3A_28 : f32 to vector<1x128xf32>
    %div3A_30 = arith.divf %broadcast_in_dim3A_27, %div3A_29 : vector<1x128xf32>
    %add3A_31 = arith.constant 9.99999974E-6 : f32
    %add3A_32 = vector.broadcast %add3A_31 : f32 to vector<1x128xf32>
    %add3A_33 = arith.addf %div3A_30, %add3A_32 : vector<1x128xf32>
    %rsqrt3A_34 = math.rsqrt %add3A_33 : vector<1x128xf32>
    %mul3A_35 = vector.broadcast %rsqrt3A_34 : vector<1x128xf32> to vector<10000x128xf32>
    %mul3A_36 = arith.mulf %sub3A_23, %mul3A_35 : vector<10000x128xf32>
    %get3A_37 = arith.constant 0 : index
    %get3A_38 = arith.constant 0 : index
    %get3A_39 = vector.load %arg5[%get3A_37, %get3A_38] : memref<1x128xf32, #tpu.memory_space<vmem>>, vector<1x128xf32>
    %mul3A_40 = vector.broadcast %get3A_39 : vector<1x128xf32> to vector<10000x128xf32>
    %mul3A_41 = arith.mulf %mul3A_36, %mul3A_40 : vector<10000x128xf32>
    %get3A_42 = arith.constant 0 : index
    %get3A_43 = arith.constant 0 : index
    %get3A_44 = vector.load %arg6[%get3A_42, %get3A_43] : memref<1x128xf32, #tpu.memory_space<vmem>>, vector<1x128xf32>
    %add3A_45 = vector.broadcast %get3A_44 : vector<1x128xf32> to vector<10000x128xf32>
    %add3A_46 = arith.addf %mul3A_41, %add3A_45 : vector<10000x128xf32>
    %max3A = arith.constant 0.000000e+00 : f32
    %max3A_47 = vector.broadcast %max3A : f32 to vector<10000x128xf32>
    %max3A_48 = arith.maximumf %add3A_46, %max3A_47 : vector<10000x128xf32>
    %swap3A = arith.constant 0 : index
    %swap3A_49 = arith.constant 0 : index
    %swap3A_50 = vector.load %arg7[%swap3A, %swap3A_49] : memref<10000x128xf32, #tpu.memory_space<vmem>>, vector<10000x128xf32>
    tpu.vector_store %arg7[%swap3A, %swap3A_49], %max3A_48 {strides = array<i32>} : memref<10000x128xf32, #tpu.memory_space<vmem>>, vector<10000x128xf32>,
    return
  }
}

</mosaic_0001>

<sc_bundles>
// kernel: kernel.6.cloned.1.call-start
scs
__scs_entry_jumppad:
0x0: {  	(pc) =	sbr.rel $0x88, $3  }
0x1: {  	(tag) =	ssettag $0x0;
	lr =	simm.s32 $0x1  }
0x2: {  	[smem:$0x3F9C] =	sst lr;
	_ =	strace $0xD0000000  }
0x3: {  	_ = 	snop  }
0x4: {  	_ = 	snop  }
0x5: {  	_ = 	snop  }
0x6: {  	_ = 	snop  }
0x7: {  	_ = 	snop  }
__scs_overlays_trampoline_lowered:
0x8: {  	[smem:$0x3FAB] =	sst s0  }
0x9: {  	[smem:$0x3FAC] =	sst s1  }
0xa: {  	[smem:$0x3FAD] =	sst s2  }
0xb: {  	[smem:$0x3FAE] =	sst s3  }
0xc: {  	[smem:$0x3FAF] =	sst s4  }
0xd: {  	[smem:$0x3FB0] =	sst s5  }
0xe: {  	[smem:$0x3FB1] =	sst s6  }
0xf: {  	[smem:$0x3FB2] =	sst s7  }
0x10: {  	[smem:$0x3FB3] =	sst s8  }
0x11: {  	[smem:$0x3FB4] =	sst s9;
	s0 =	simm.s32 @!p0 $0x0  }
0x12: {  	s1 =	sld [smem:$0x3F9A];
	s0 =	simm.s32 @p0 $0x1  }
0x13: {  	[smem:$0x3FB5] =	sst s0;
	s0 =	simm.s32 @!p1 $0x0  }
0x14: {  	s2 =	sld [smem:$0x3F99];
	s0 =	simm.s32 @p1 $0x1  }
0x15: {  	[smem:$0x3FB6] =	sst s0;
	s0 =	simm.s32 @!p2 $0x0  }
0x16: {  	s3 =	sld [smem:$0x3FDB];
	s0 =	simm.s32 @p2 $0x1  }
0x17: {  	s4 =	simm.s32 $0x1BF5;
	[smem:$0x3FB8] =	sst s0  }
0x18: {  	s0 =	sld [smem:$0x3F9B];
	_ =	swait.ge [sflag:s4], $0x0  }
0x19: {  	s7 =	sld [smem:$0x3F9C]  }
0x1a: {  	s8 =	sadd.s32 $0xFFFFE003, lr  }
0x1b: {  	s9 =	sadd.s32 $0xFFFFFEF7, lr;
	s5 =	simm.s32 $0xFFFFFFFF;
	p2 =	slt.u32 s8, $0xFFFFF086  }
0x1c: {  	p1 =	slt.u32 s9, $0xF7A;
	s5 =	simm.s32 @!p2 $0x0  }
0x1d: {  	s5 =	simm.s32 @p1 $0x1;
	p0 =	seq.s32 s7, s2  }
0x1e: {  	s7 =	smul.u32 @!p0 $0xF7A, s2;
	p2 =	seq.s32 @!p0 s5, $0x0  }
0x1f: {  	s9 =	smul.u32 $0xF7A, s1;
	s8 =	simm.s32 @!p0 $0x1BF5;
	p2 =	por !p2, p0  }
0x20: {  	[sflag:s8] =	ssyncset.s32 @!p0 $0xFFFFF086;
	s6 =	sadd.s32 @!p0 s3, s7;
	s7 =	simm.s32 @!p0 $0x108  }
0x21: {  	s3 =	sadd.s32 s3, s9;
	s6 =	sadd.s32 @!p0 $0x88, s6;
	s7 =	simm.s32 @p2 $0x1082  }
0x22: {  	[simem:s7], [sflag:s8] =	dma.local @!p0 [hbm:s6], $0xF7A  }
0x23: {  	s9 =	sor.u32 $0xD0000000, s2;
	s6 =	simm.s32 $0x108;
	_ =	swait.ge @!p0 [sflag:s8], $0x0  }
0x24: {  	s3 =	sadd.s32 $0x88, s3;
	s6 =	simm.s32 @!p1 $0x1082;
	[sflag:s4] =	ssyncset.s32 $0xFFFFF086  }
0x25: {  	[simem:s6], [sflag:s4] =	dma.local [hbm:s3], $0xF7A  }
0x26: {  	[smem:$0x3F9C] =	sst s1;
	(tag) =	ssettag s2;
	_ =	strace s9  }
0x27: {  	s1 =	sld [smem:$0x3FAC]  }
0x28: {  	s2 =	sld [smem:$0x3FAD]  }
0x29: {  	s4 =	sld [smem:$0x3FAF]  }
0x2a: {  	p0 =	seq.s32 s5, $0x0;
	s5 =	sld [smem:$0x3FB0]  }
0x2b: {  	s6 =	sld [smem:$0x3FB1]  }
0x2c: {  	s7 =	sld [smem:$0x3FB2]  }
0x2d: {  	s3 =	simm.s32 $0x108;
	s8 =	sld [smem:$0x3FB3]  }
0x2e: {  	s3 =	simm.s32 @!p0 $0x1082;
	s9 =	sld [smem:$0x3FB4]  }
0x2f: {  	lr =	sadd.s32 s0, s3;
	s0 =	sld [smem:$0x3FAB]  }
0x30: {  	s3 =	sld [smem:$0x3FAE]  }
0x31: {  	[smem:$0x3FB7] =	sst s10  }
0x32: {  	s10 =	sld [smem:$0x3FB5];
	_ =	sdelay $0x3  }
0x33: {  	p0 =	seq.s32 s10, $0x1;
	s10 =	sld [smem:$0x3FB7];
	_ =	sdelay $0x3  }
0x34: {  	[smem:$0x3FB7] =	sst s10  }
0x35: {  	s10 =	sld [smem:$0x3FB6];
	_ =	sdelay $0x3  }
0x36: {  	p1 =	seq.s32 s10, $0x1;
	s10 =	sld [smem:$0x3FB7];
	_ =	sdelay $0x3  }
0x37: {  	[smem:$0x3FB7] =	sst s10  }
0x38: {  	s10 =	sld [smem:$0x3FB8]  }
0x39: {  	_ = 	snop;
	(pc) =	sbr.ind lr, $3  }
0x3a: {  	_ = 	snop  }
0x3b: {  	_ = 	snop  }
0x3c: {  	p2 =	seq.s32 s10, $0x1;
	s10 =	sld [smem:$0x3FB7]  }
0x3d: {  	_ =	shalt  }
0x3e: {  	_ =	shalt  }
0x3f: {  	_ =	shalt  }
0x40: {  	_ =	shalt  }
0x41: {  	_ =	shalt  }
0x42: {  	_ =	shalt  }
0x43: {  	_ =	shalt  }
0x44: {  	_ =	shalt  }
0x45: {  	_ =	shalt  }
0x46: {  	_ =	shalt  }
0x47: {  	_ =	shalt  }
0x48: {  	_ =	shalt  }
0x49: {  	_ =	shalt  }
0x4a: {  	_ =	shalt  }
0x4b: {  	_ =	shalt  }
0x4c: {  	_ =	shalt  }
0x4d: {  	_ =	shalt  }
0x4e: {  	_ =	shalt  }
0x4f: {  	_ =	shalt  }
0x50: {  	_ =	shalt  }
0x51: {  	_ =	shalt  }
0x52: {  	_ =	shalt  }
0x53: {  	_ =	shalt  }
0x54: {  	_ =	shalt  }
0x55: {  	_ =	shalt  }
0x56: {  	_ =	shalt  }
0x57: {  	_ =	shalt  }
0x58: {  	_ =	shalt  }
0x59: {  	_ =	shalt  }
0x5a: {  	_ =	shalt  }
0x5b: {  	_ =	shalt  }
0x5c: {  	_ =	shalt  }
0x5d: {  	_ =	shalt  }
0x5e: {  	_ =	shalt  }
0x5f: {  	_ =	shalt  }
0x60: {  	_ =	shalt  }
0x61: {  	_ =	shalt  }
0x62: {  	_ =	shalt  }
0x63: {  	_ =	shalt  }
0x64: {  	_ =	shalt  }
0x65: {  	_ =	shalt  }
0x66: {  	_ =	shalt  }
0x67: {  	_ =	shalt  }
0x68: {  	_ =	shalt  }
0x69: {  	_ =	shalt  }
0x6a: {  	_ =	shalt  }
0x6b: {  	_ =	shalt  }
0x6c: {  	_ =	shalt  }
0x6d: {  	_ =	shalt  }
0x6e: {  	_ =	shalt  }
0x6f: {  	_ =	shalt  }
0x70: {  	_ =	shalt  }
0x71: {  	_ =	shalt  }
0x72: {  	_ =	shalt  }
0x73: {  	_ =	shalt  }
0x74: {  	_ =	shalt  }
0x75: {  	_ =	shalt  }
0x76: {  	_ =	shalt  }
0x77: {  	_ =	shalt  }
0x78: {  	_ =	shalt  }
0x79: {  	_ =	shalt  }
0x7a: {  	_ =	shalt  }
0x7b: {  	_ =	shalt  }
0x7c: {  	_ =	shalt  }
0x7d: {  	_ =	shalt  }
0x7e: {  	_ =	shalt  }
0x7f: {  	_ =	shalt  }
0x80: {  	_ =	shalt  }
0x81: {  	_ =	shalt  }
0x82: {  	_ =	shalt  }
0x83: {  	_ =	shalt  }
0x84: {  	_ =	shalt  }
0x85: {  	_ =	shalt  }
0x86: {  	_ =	shalt  }
0x87: {  	_ =	shalt  }
.Lfunc_end0:
.L_simem_size_0:
called_computation_lowered:
.L_overlay_start_0:
0x88: {  	s2 =	sld [smem:$0x3FD9]  }
0x89: {  	s3 =	sld [smem:$0x3FFE];
	_ =	sdelay $0x1  }
0x8a: {  	s1 =	srdreg.scid  }
0x8b: {  	s0 =	sand.u32 $0x1, s1  }
0x8c: {  	s17 =	sshll.u32 s0, $0xA;
	s2 =	sadd.s32 s3, s2  }
0x8d: {  	s2 =	sadd.s32 s2, s17  }
0x8e: {  	[smem:$0x3FC3] =	sst s2  }
0x8f: {  	_ = 	snop  }
0x90: {  	s2 =	sld [smem:$0x3FD0];
	(tm) =	ssettm $0x1  }
0x91: {  	s18 =	sld [smem:$0x3FFB];
	_ =	sdelay $0x3  }
0x92: {  	_ =	strace s18  }
0x93: {  	s3 =	sld [smem:$0x3FFC];
	_ =	sdelay $0x3  }
0x94: {  	_ =	strace s3  }
0x95: {  	s3 =	sld [smem:$0x3FFD];
	_ =	sdelay $0x3  }
0x96: {  	_ =	strace s3  }
0x97: {  	_ =	strace $0x8FFFFFFF  }
0x98: {  	s19 =	sld [smem:$0x3FDB];
	_ =	sdelay $0x1  }
0x99: {  	s4 =	simm.s32 $_scs_section_size  }
0x9a: {  	s5 =	simm.s32 $_size__tile_overlayer_lowered;
	s6 =	simm.s32 $_tile_overlayer_lowered  }
0x9b: {  	s22 =	simm.s32 $0x1BFF;
	s21 =	sshll.u32 s6, $0x1;
	s3 =	sadd.s32 s4, s19  }
0x9c: {  	s7 =	simm.s32 $0x0;
	s20 =	sshll.u32 s5, $0x1;
	s5 =	sadd.s32 s21, s3  }
0x9d: {  	[timem:s7], [sflag:s22] =	dma.local [hbm:s5], s20  }
0x9e: {  	_ =	swait.ge [sflag:s22], s20  }
0x9f: {  	s4 =	ssub.s32 $0x0, s20;
	[sflag:s22] =	ssyncset.done $0x0  }
0xa0: {  	[sflag:s22] =	ssyncadd.s32 s4;
	_ =	sdelay $0x1  }
0xa1: {  	s23 =	simm.s32 $0x1B8B  }
0xa2: {  	_ =	swait.ge [sflag:s23], $0x1  }
0xa3: {  	[sflag:s23] =	ssyncset.done $0x0  }
0xa4: {  	s25 =	simm.s32 $0x1B8E;
	s24 =	sld [smem:$0x3FFE];
	[sflag:s23] =	ssyncadd.s32 $0xFFFFFFFF  }
0xa5: {  	s26 =	simm.s32 $execute0_lowered;
	[smem:$0x3FD2] =	sst s25  }
0xa6: {  	s5 =	sshll.u32 s26, $0x1;
	_ =	strace $0x80000046;
	[dreg:$0x1] =	wrdreg $0xFFFFFFFF  }
0xa7: {  	s28 =	simm.s32 $_size_execute0_lowered;
	s3 =	sadd.s32 s3, s5;
	[dreg:$0x0] =	wrdreg $0x0  }
0xa8: {  	s5 =	sshll.u32 s28, $0x1;
	[dreg:$0x2] =	wrdreg s3  }
0xa9: {  	[dreg:$0x3] =	wrdreg s5  }
0xaa: {  	[dreg:$0x4] =	wrdreg $0xC0  }
0xab: {  	_ =	task [dreg:s7], $0x5FFFF  }
0xac: {  	[dreg:$0x1] =	wrdreg $0xFFFFFFFF  }
0xad: {  	[dreg:$0x0] =	wrdreg $0x60  }
0xae: {  	[dreg:$0x2] =	wrdreg s24  }
0xaf: {  	[dreg:$0x3] =	wrdreg s2  }
0xb0: {  	[dreg:$0x4] =	wrdreg $0x50800  }
0xb1: {  	[dreg:$0x5] =	wrdreg $0x9  }
0xb2: {  	_ =	task.clear_ibuf [dreg:s7], $0x6FFFF;
	_ =	strace $0x90000046  }
0xb3: {  	s29 =	simm.s32 $0x9;
	_ =	strace $0x80000048  }
0xb4: {  	_ =	swait.ge [sflag:s29], $0x1  }
0xb5: {  	[sflag:s29] =	ssyncadd.s32 $0xFFFFFFFF  }
0xb6: {  	_ =	strace $0x90000048  }
0xb7: {  	_ =	sfence  }
0xb8: {  	s30 =	sld [smem:$0x0];
	_ =	sdelay $0x2  }
0xb9: {  	s31 =	sshll.u32 s1, $0xD;
	s1 =	sshrl.u32 s1, $0x2  }
0xba: {  	s3 =	sand.u32 $0x4000, s31;
	s1 =	sadd.s32 s1, s30  }
0xbb: {  	s0 =	sor.u32 s3, s0;
	s1 =	sshll.u32 s1, $0x11  }
0xbc: {  	s0 =	sor.u32 s1, s0  }
0xbd: {  	s0 =	sadd.s32 $0x8F2B, s0  }
0xbe: {  	[sflag:s0] =	ssyncadd.remote.s32 $0x1  }
0xbf: {  	_ =	sfence.sel $0xFFFF  }
0xc0: {  	[dreg:$0x0] =	wrdreg $0xFFFFFFFF;
	(pc) =	sbr.abs _section_cstart, $3  }
0xc1: {  	[dreg:$0x1] =	wrdreg $0xFFFFFFFF  }
0xc2: {  	_ =	task.clear_ibuf [dreg:s7], $0x2FFFF;
	_ =	strace $0x9FFFFFFF  }
0xc3: {  	(tm) =	ssettm $0x7FFFFFFF  }
tec
execute0_lowered:
.L_overlay_start_1:
0x0: {  	(tag) =	ssettag $0x1  }
0x1: {  	s5 =	rddreg [dreg:$0x0]  }
0x2: {  	s7 =	rddreg [dreg:$0x1]  }
0x3: {  	s0 =	srdreg.scid;
	s2 =	rddreg [dreg:$0x2];
	s3 =	simm.s32 $0x0  }
0x4: {  	s12 =	simm.s32 $0x2800;
	s13 =	simm.s32 $0x2880;
	s14 =	simm.s32 $0x50  }
0x5: {  	s6 =	sand.u32 $0x1, s0;
	s0 =	stileid.u32;
	[smem:$0x7FF] =	sst s3  }
0x6: {  	s1 =	sshll.u32 s6, $0x4;
	s9 =	ssub.s32 $0x2, s6;
	s6 =	smul.u32 $0x2800, s6  }
0x7: {  	s11 =	sshll.u32 s0, $0xA;
	p0 =	sgt.u32 s0, $0x9;
	s4 =	sor.u32 s0, s1  }
0x8: {  	s1 =	rddreg [dreg:$0x3];
	s10 =	sshrl.u32 s9, $0x1;
	s4 =	smul.u32 $0x500, s4  }
0x9: {  	s9 =	ssub.s32 s9, s10;
	s10 =	sadd.s32 s11, s2;
	s11 =	sadd.s32 s6, s11  }
0xa: {  	_ =	strace $0x80000047;
	s31 =	sshrl.u32 s11, $0x3;
	s10 =	sshrl.u32 @!p0 s10, $0x3  }
0xb: {  	s11 =	simm.s32 $0x1;
	s8 =	sadd.s32 s4, s5;
	s4 =	sadd.s32 $0xBE00, s5  }
0xc: {  	s6 =	sadd.s32 $0x1E00, s8;
	s8 =	smax.u32 s9, $0x1;
	s9 =	sshll.u32 @!p0 s0, $0x6  }
0xd: {  	v0 =	vimm.f32 $0.0e+00;
	v1 =	vimm.f32 $1.000000000e+00;
	s5 =	sadd.s32 $0xC000, s5;
	s7 =	sadd.s32 s7, s31;
	s9 =	sor.u32 @!p0 $0x1C01, s9  }
.LBB2_1:
0xe: {  	s15 =	simm.s32 $0x0;
	s16 =	simm.s32 $0x200  }
.LBB2_2:
0xf: {  	p1 =	sne.s32 s16, $0x9E00;
	[tilespmem:s15+$0x28F0] =	vst v0  }
0x10: {  	[tilespmem:s15+$0x2880] =	vst v0  }
0x11: {  	[tilespmem:s15+$0x2890] =	vst v0  }
.Ltmp0:
0x12: {  	[tilespmem:s15+$0x28A0] =	vst v0;
	(pc) =	sbr.rel @p1 .LBB2_2-.Ltmp0, $4  }
0x13: {  	[tilespmem:s15+$0x28B0] =	vst v0  }
0x14: {  	[tilespmem:s15+$0x28C0] =	vst v0  }
0x15: {  	[tilespmem:s15+$0x28D0] =	vst v0  }
0x16: {  	[tilespmem:s15+$0x28E0] =	vst v0;
	s15 =	sshra.s32 s16, $0x2;
	s16 =	sadd.s32 $0x200, s16  }
0x17: {  	[tilespmem:s15+$0x28F0] =	vst v0  }
0x18: {  	[tilespmem:s15+$0x2880] =	vst v0  }
0x19: {  	[tilespmem:s15+$0x2890] =	vst v0  }
0x1a: {  	[tilespmem:s15+$0x28A0] =	vst v0  }
0x1b: {  	[tilespmem:s15+$0x28B0] =	vst v0  }
0x1c: {  	[tilespmem:s15+$0x28C0] =	vst v0  }
0x1d: {  	[tilespmem:s15+$0x28D0] =	vst v0  }
0x1e: {  	[tilespmem:s15+$0x28E0] =	vst v0;
	s15 =	simm.s32 @!p0 $0x1  }
0x1f: {  	[spmem:s10], [sflag:s9] =	dma.local @!p0 [hbm:s5], $0x80  }
0x20: {  	_ =	swait.ge @!p0 [sflag:s15], $0x80  }
0x21: {  	[sflag:s15] =	ssyncset.done @!p0 $0x0  }
0x22: {  	[sflag:s15] =	ssyncadd.s32 @!p0 $0xFFFFFF80;
	s15 =	simm.s32 $0x0  }
0x23: {  	[tilespmem:s15], [sflag:$0x1] =	stream.linear.gather [hbm4b:s6+s15], $0x2780, $0x38;
	[tilespmem:$0x5300] =	vst v63  }
0x24: {  	_ =	swait.ge [sflag:s11], $0x2780  }
0x25: {  	[sflag:s11] =	ssyncset.done $0x0  }
0x26: {  	[sflag:s11] =	ssyncadd.s32 $0xFFFFD880  }
0x27: {  	[tilespmem:s12], [sflag:$0x1] =	stream.linear.gather [hbm4b:s4+s15], $0x80, $0x38;
	[tilespmem:$0x5300] =	vst v63  }
0x28: {  	_ =	swait.ge [sflag:s11], $0x80  }
0x29: {  	[sflag:s11] =	ssyncset.done $0x0  }
0x2a: {  	[sflag:s11] =	ssyncadd.s32 $0xFFFFFF80  }
.LBB2_4:
0x2b: {  	s16 =	sshra.s32 s15, $0x2  }
0x2c: {  	v2 =	vld [tilespmem:s16+$0x0];
	_ =	sdelay $0x7  }
0x2d: {  	[tilespmem:v2+s13+$0x0] =	vst.idx.add.f32.msk $0xffff, v1  }
0x2e: {  	v2 =	vld [tilespmem:s16+$0x10];
	_ =	sdelay $0x7  }
0x2f: {  	[tilespmem:v2+s13+$0x0] =	vst.idx.add.f32.msk $0xffff, v1  }
0x30: {  	v2 =	vld [tilespmem:s16+$0x20];
	_ =	sdelay $0x7  }
0x31: {  	[tilespmem:v2+s13+$0x0] =	vst.idx.add.f32.msk $0xffff, v1  }
0x32: {  	v2 =	vld [tilespmem:s16+$0x30];
	_ =	sdelay $0x7  }
0x33: {  	[tilespmem:v2+s13+$0x0] =	vst.idx.add.f32.msk $0xffff, v1  }
0x34: {  	v2 =	vld [tilespmem:s16+$0x40];
	_ =	sdelay $0x7  }
0x35: {  	[tilespmem:v2+s13+$0x0] =	vst.idx.add.f32.msk $0xffff, v1  }
0x36: {  	v2 =	vld [tilespmem:s16+$0x50];
	_ =	sdelay $0x7  }
0x37: {  	[tilespmem:v2+s13+$0x0] =	vst.idx.add.f32.msk $0xffff, v1  }
0x38: {  	v2 =	vld [tilespmem:s16+$0x60];
	_ =	sdelay $0x7  }
0x39: {  	[tilespmem:v2+s13+$0x0] =	vst.idx.add.f32.msk $0xffff, v1  }
0x3a: {  	v2 =	vld [tilespmem:s16+$0x70];
	_ =	sdelay $0x2  }
0x3b: {  	p1 =	sne.s32 s15, $0x9C00  }
.Ltmp1:
0x3c: {  	_ = 	snop;
	(pc) =	sbr.rel @p1 .LBB2_4-.Ltmp1, $2  }
0x3d: {  	_ =	sdelay $0x2  }
0x3e: {  	s15 =	sadd.s32 $0x200, s15;
	[tilespmem:v2+s13+$0x0] =	vst.idx.add.f32.msk $0xffff, v1  }
0x3f: {  	[bflag:$0x0] =	sbarrier.arrive $0xFFFF  }
0x40: {  	[spmem:s2] =	stream.indirect.scatter.add.f32 [tilespmem:s13], [sflag:$0x1], $0x80, s12, s14, $0xb8;
	[tilespmem:$0x5300] =	vst v63  }
0x41: {  	_ =	swait.ge [sflag:s11], $0x2800  }
0x42: {  	s3 =	sadd.s32 $0x1, s3;
	[sflag:s11] =	ssyncset.done $0x0  }
0x43: {  	p1 =	sne.s32 s3, s8;
	[sflag:s11] =	ssyncadd.s32 $0xFFFFD800  }
.Ltmp2:
0x44: {  	s15 =	simm.s32 @!p0 $0x1;
	[bflag:$0x0] =	sbarrier.arrive $0xFFFF;
	(pc) =	sbr.rel @p1 .LBB2_1-.Ltmp2, $4  }
0x45: {  	[hbm:s7], [sflag:s9] =	dma.local @!p0 [spmem:s10], $0x80  }
0x46: {  	_ =	swait.ge @!p0 [sflag:s15], $0x80  }
0x47: {  	[sflag:s15] =	ssyncset.done @!p0 $0x0  }
0x48: {  	[sflag:s15] =	ssyncadd.s32 @!p0 $0xFFFFFF80  }
0x49: {  	_ =	sfence.sel $0x180000  }
0x4a: {  	[bflag:$0x0] =	sbarrier.arrive $0xFFFF  }
0x4b: {  	p0 =	sne.s32 s0, $0x0;
	_ =	strace $0x90000047  }
0x4c: {  	s0 =	sadd.s32 @!p0 $0x100000, s1;
	[bflag:$0x2] =	sbarrier.arrive $0xFFFF  }
0x4d: {  	[sflag:s0] =	ssyncadd.tile.s32 @!p0 $0x1;
	_ =	shalt  }
.Lfunc_end2:
_tile_overlayer_lowered:
.L_overlay_start_2:
0x4e: {  	(tag) =	ssettag $0x2  }
0x4f: {  	s0 =	rddreg [dreg:$0x0];
	s2 =	stileid.u32  }
0x50: {  	s1 =	rddreg [dreg:$0x1];
	p0 =	sne.s32 s2, $0x0  }
0x51: {  	s3 =	rddreg [dreg:$0x2];
	[bflag:$0x3] =	sbarrier.arrive $0xFFFF;
	s2 =	simm.s32 @!p0 $0x1C01  }
0x52: {  	[timem:s3], [sflag:s2] =	dma.local @!p0 [hbm:s0], s1  }
0x53: {  	s0 =	simm.s32 @!p0 $0x1  }
0x54: {  	_ =	swait.ge @!p0 [sflag:s0], s1  }
0x55: {  	s1 =	ssub.s32 @!p0 $0x0, s1;
	[sflag:s0] =	ssyncset.done @!p0 $0x0  }
0x56: {  	[sflag:s0] =	ssyncadd.s32 @!p0 s1  }
0x57: {  	[bflag:$0x3] =	sbarrier.arrive $0xFFFF  }
0x58: {  	_ =	shalt  }

// kernel: kernel.9.cloned.1.call-start
scs
__scs_entry_jumppad:
0x0: {  	(pc) =	sbr.rel $0x88, $3  }
0x1: {  	(tag) =	ssettag $0x0;
	lr =	simm.s32 $0x1  }
0x2: {  	[smem:$0x3F9C] =	sst lr;
	_ =	strace $0xD0000000  }
0x3: {  	_ = 	snop  }
0x4: {  	_ = 	snop  }
0x5: {  	_ = 	snop  }
0x6: {  	_ = 	snop  }
0x7: {  	_ = 	snop  }
__scs_overlays_trampoline_lowered:
0x8: {  	[smem:$0x3FAB] =	sst s0  }
0x9: {  	[smem:$0x3FAC] =	sst s1  }
0xa: {  	[smem:$0x3FAD] =	sst s2  }
0xb: {  	[smem:$0x3FAE] =	sst s3  }
0xc: {  	[smem:$0x3FAF] =	sst s4  }
0xd: {  	[smem:$0x3FB0] =	sst s5  }
0xe: {  	[smem:$0x3FB1] =	sst s6  }
0xf: {  	[smem:$0x3FB2] =	sst s7  }
0x10: {  	[smem:$0x3FB3] =	sst s8  }
0x11: {  	[smem:$0x3FB4] =	sst s9;
	s0 =	simm.s32 @!p0 $0x0  }
0x12: {  	s1 =	sld [smem:$0x3F9A];
	s0 =	simm.s32 @p0 $0x1  }
0x13: {  	[smem:$0x3FB5] =	sst s0;
	s0 =	simm.s32 @!p1 $0x0  }
0x14: {  	s2 =	sld [smem:$0x3F99];
	s0 =	simm.s32 @p1 $0x1  }
0x15: {  	[smem:$0x3FB6] =	sst s0;
	s0 =	simm.s32 @!p2 $0x0  }
0x16: {  	s3 =	sld [smem:$0x3FDB];
	s0 =	simm.s32 @p2 $0x1  }
0x17: {  	s4 =	simm.s32 $0x1BF5;
	[smem:$0x3FB8] =	sst s0  }
0x18: {  	s0 =	sld [smem:$0x3F9B];
	_ =	swait.ge [sflag:s4], $0x0  }
0x19: {  	s7 =	sld [smem:$0x3F9C]  }
0x1a: {  	s8 =	sadd.s32 $0xFFFFE003, lr  }
0x1b: {  	s9 =	sadd.s32 $0xFFFFFEF7, lr;
	s5 =	simm.s32 $0xFFFFFFFF;
	p2 =	slt.u32 s8, $0xFFFFF086  }
0x1c: {  	p1 =	slt.u32 s9, $0xF7A;
	s5 =	simm.s32 @!p2 $0x0  }
0x1d: {  	s5 =	simm.s32 @p1 $0x1;
	p0 =	seq.s32 s7, s2  }
0x1e: {  	s7 =	smul.u32 @!p0 $0xF7A, s2;
	p2 =	seq.s32 @!p0 s5, $0x0  }
0x1f: {  	s9 =	smul.u32 $0xF7A, s1;
	s8 =	simm.s32 @!p0 $0x1BF5;
	p2 =	por !p2, p0  }
0x20: {  	[sflag:s8] =	ssyncset.s32 @!p0 $0xFFFFF086;
	s6 =	sadd.s32 @!p0 s3, s7;
	s7 =	simm.s32 @!p0 $0x108  }
0x21: {  	s3 =	sadd.s32 s3, s9;
	s6 =	sadd.s32 @!p0 $0x88, s6;
	s7 =	simm.s32 @p2 $0x1082  }
0x22: {  	[simem:s7], [sflag:s8] =	dma.local @!p0 [hbm:s6], $0xF7A  }
0x23: {  	s9 =	sor.u32 $0xD0000000, s2;
	s6 =	simm.s32 $0x108;
	_ =	swait.ge @!p0 [sflag:s8], $0x0  }
0x24: {  	s3 =	sadd.s32 $0x88, s3;
	s6 =	simm.s32 @!p1 $0x1082;
	[sflag:s4] =	ssyncset.s32 $0xFFFFF086  }
0x25: {  	[simem:s6], [sflag:s4] =	dma.local [hbm:s3], $0xF7A  }
0x26: {  	[smem:$0x3F9C] =	sst s1;
	(tag) =	ssettag s2;
	_ =	strace s9  }
0x27: {  	s1 =	sld [smem:$0x3FAC]  }
0x28: {  	s2 =	sld [smem:$0x3FAD]  }
0x29: {  	s4 =	sld [smem:$0x3FAF]  }
0x2a: {  	p0 =	seq.s32 s5, $0x0;
	s5 =	sld [smem:$0x3FB0]  }
0x2b: {  	s6 =	sld [smem:$0x3FB1]  }
0x2c: {  	s7 =	sld [smem:$0x3FB2]  }
0x2d: {  	s3 =	simm.s32 $0x108;
	s8 =	sld [smem:$0x3FB3]  }
0x2e: {  	s3 =	simm.s32 @!p0 $0x1082;
	s9 =	sld [smem:$0x3FB4]  }
0x2f: {  	lr =	sadd.s32 s0, s3;
	s0 =	sld [smem:$0x3FAB]  }
0x30: {  	s3 =	sld [smem:$0x3FAE]  }
0x31: {  	[smem:$0x3FB7] =	sst s10  }
0x32: {  	s10 =	sld [smem:$0x3FB5];
	_ =	sdelay $0x3  }
0x33: {  	p0 =	seq.s32 s10, $0x1;
	s10 =	sld [smem:$0x3FB7];
	_ =	sdelay $0x3  }
0x34: {  	[smem:$0x3FB7] =	sst s10  }
0x35: {  	s10 =	sld [smem:$0x3FB6];
	_ =	sdelay $0x3  }
0x36: {  	p1 =	seq.s32 s10, $0x1;
	s10 =	sld [smem:$0x3FB7];
	_ =	sdelay $0x3  }
0x37: {  	[smem:$0x3FB7] =	sst s10  }
0x38: {  	s10 =	sld [smem:$0x3FB8]  }
0x39: {  	_ = 	snop;
	(pc) =	sbr.ind lr, $3  }
0x3a: {  	_ = 	snop  }
0x3b: {  	_ = 	snop  }
0x3c: {  	p2 =	seq.s32 s10, $0x1;
	s10 =	sld [smem:$0x3FB7]  }
0x3d: {  	_ =	shalt  }
0x3e: {  	_ =	shalt  }
0x3f: {  	_ =	shalt  }
0x40: {  	_ =	shalt  }
0x41: {  	_ =	shalt  }
0x42: {  	_ =	shalt  }
0x43: {  	_ =	shalt  }
0x44: {  	_ =	shalt  }
0x45: {  	_ =	shalt  }
0x46: {  	_ =	shalt  }
0x47: {  	_ =	shalt  }
0x48: {  	_ =	shalt  }
0x49: {  	_ =	shalt  }
0x4a: {  	_ =	shalt  }
0x4b: {  	_ =	shalt  }
0x4c: {  	_ =	shalt  }
0x4d: {  	_ =	shalt  }
0x4e: {  	_ =	shalt  }
0x4f: {  	_ =	shalt  }
0x50: {  	_ =	shalt  }
0x51: {  	_ =	shalt  }
0x52: {  	_ =	shalt  }
0x53: {  	_ =	shalt  }
0x54: {  	_ =	shalt  }
0x55: {  	_ =	shalt  }
0x56: {  	_ =	shalt  }
0x57: {  	_ =	shalt  }
0x58: {  	_ =	shalt  }
0x59: {  	_ =	shalt  }
0x5a: {  	_ =	shalt  }
0x5b: {  	_ =	shalt  }
0x5c: {  	_ =	shalt  }
0x5d: {  	_ =	shalt  }
0x5e: {  	_ =	shalt  }
0x5f: {  	_ =	shalt  }
0x60: {  	_ =	shalt  }
0x61: {  	_ =	shalt  }
0x62: {  	_ =	shalt  }
0x63: {  	_ =	shalt  }
0x64: {  	_ =	shalt  }
0x65: {  	_ =	shalt  }
0x66: {  	_ =	shalt  }
0x67: {  	_ =	shalt  }
0x68: {  	_ =	shalt  }
0x69: {  	_ =	shalt  }
0x6a: {  	_ =	shalt  }
0x6b: {  	_ =	shalt  }
0x6c: {  	_ =	shalt  }
0x6d: {  	_ =	shalt  }
0x6e: {  	_ =	shalt  }
0x6f: {  	_ =	shalt  }
0x70: {  	_ =	shalt  }
0x71: {  	_ =	shalt  }
0x72: {  	_ =	shalt  }
0x73: {  	_ =	shalt  }
0x74: {  	_ =	shalt  }
0x75: {  	_ =	shalt  }
0x76: {  	_ =	shalt  }
0x77: {  	_ =	shalt  }
0x78: {  	_ =	shalt  }
0x79: {  	_ =	shalt  }
0x7a: {  	_ =	shalt  }
0x7b: {  	_ =	shalt  }
0x7c: {  	_ =	shalt  }
0x7d: {  	_ =	shalt  }
0x7e: {  	_ =	shalt  }
0x7f: {  	_ =	shalt  }
0x80: {  	_ =	shalt  }
0x81: {  	_ =	shalt  }
0x82: {  	_ =	shalt  }
0x83: {  	_ =	shalt  }
0x84: {  	_ =	shalt  }
0x85: {  	_ =	shalt  }
0x86: {  	_ =	shalt  }
0x87: {  	_ =	shalt  }
.Lfunc_end0:
.L_simem_size_0:
called_computation.1_lowered:
.L_overlay_start_0:
0x88: {  	s2 =	sld [smem:$0x3FD9]  }
0x89: {  	s3 =	sld [smem:$0x3FFE];
	_ =	sdelay $0x1  }
0x8a: {  	s1 =	srdreg.scid  }
0x8b: {  	s0 =	sand.u32 $0x1, s1  }
0x8c: {  	s17 =	sshll.u32 s0, $0xA;
	s2 =	sadd.s32 s3, s2  }
0x8d: {  	s2 =	sadd.s32 s2, s17  }
0x8e: {  	[smem:$0x3FC3] =	sst s2  }
0x8f: {  	_ = 	snop  }
0x90: {  	s2 =	sld [smem:$0x3FD0];
	(tm) =	ssettm $0x1  }
0x91: {  	s18 =	sld [smem:$0x3FFB];
	_ =	sdelay $0x3  }
0x92: {  	_ =	strace s18  }
0x93: {  	s3 =	sld [smem:$0x3FFC];
	_ =	sdelay $0x3  }
0x94: {  	_ =	strace s3  }
0x95: {  	s3 =	sld [smem:$0x3FFD];
	_ =	sdelay $0x3  }
0x96: {  	_ =	strace s3  }
0x97: {  	_ =	strace $0x8FFFFFFF  }
0x98: {  	s19 =	sld [smem:$0x3FDB];
	_ =	sdelay $0x1  }
0x99: {  	s4 =	simm.s32 $_scs_section_size  }
0x9a: {  	s5 =	simm.s32 $_size__tile_overlayer_lowered;
	s6 =	simm.s32 $_tile_overlayer_lowered  }
0x9b: {  	s22 =	simm.s32 $0x1BFF;
	s21 =	sshll.u32 s6, $0x1;
	s3 =	sadd.s32 s4, s19  }
0x9c: {  	s7 =	simm.s32 $0x0;
	s20 =	sshll.u32 s5, $0x1;
	s5 =	sadd.s32 s21, s3  }
0x9d: {  	[timem:s7], [sflag:s22] =	dma.local [hbm:s5], s20  }
0x9e: {  	_ =	swait.ge [sflag:s22], s20  }
0x9f: {  	s4 =	ssub.s32 $0x0, s20;
	[sflag:s22] =	ssyncset.done $0x0  }
0xa0: {  	[sflag:s22] =	ssyncadd.s32 s4;
	_ =	sdelay $0x1  }
0xa1: {  	s23 =	simm.s32 $0x1B8B  }
0xa2: {  	_ =	swait.ge [sflag:s23], $0x1  }
0xa3: {  	[sflag:s23] =	ssyncset.done $0x0  }
0xa4: {  	s25 =	simm.s32 $0x1B8E;
	s24 =	sld [smem:$0x3FFE];
	[sflag:s23] =	ssyncadd.s32 $0xFFFFFFFF  }
0xa5: {  	s26 =	simm.s32 $execute0_lowered;
	[smem:$0x3FD2] =	sst s25  }
0xa6: {  	s5 =	sshll.u32 s26, $0x1;
	_ =	strace $0x80000049;
	[dreg:$0x1] =	wrdreg $0xFFFFFFFF  }
0xa7: {  	s28 =	simm.s32 $_size_execute0_lowered;
	s3 =	sadd.s32 s3, s5;
	[dreg:$0x0] =	wrdreg $0x0  }
0xa8: {  	s5 =	sshll.u32 s28, $0x1;
	[dreg:$0x2] =	wrdreg s3  }
0xa9: {  	[dreg:$0x3] =	wrdreg s5  }
0xaa: {  	[dreg:$0x4] =	wrdreg $0xC0  }
0xab: {  	_ =	task [dreg:s7], $0x5FFFF  }
0xac: {  	[dreg:$0x1] =	wrdreg $0xFFFFFFFF  }
0xad: {  	[dreg:$0x0] =	wrdreg $0x60  }
0xae: {  	[dreg:$0x2] =	wrdreg s24  }
0xaf: {  	[dreg:$0x3] =	wrdreg s2  }
0xb0: {  	[dreg:$0x4] =	wrdreg $0x90000  }
0xb1: {  	[dreg:$0x5] =	wrdreg $0x9  }
0xb2: {  	_ =	task.clear_ibuf [dreg:s7], $0x6FFFF;
	_ =	strace $0x90000049  }
0xb3: {  	s29 =	simm.s32 $0x9;
	_ =	strace $0x8000004B  }
0xb4: {  	_ =	swait.ge [sflag:s29], $0x1  }
0xb5: {  	[sflag:s29] =	ssyncadd.s32 $0xFFFFFFFF  }
0xb6: {  	_ =	strace $0x9000004B  }
0xb7: {  	_ =	sfence  }
0xb8: {  	s30 =	sld [smem:$0x0];
	_ =	sdelay $0x2  }
0xb9: {  	s31 =	sshll.u32 s1, $0xD;
	s1 =	sshrl.u32 s1, $0x2  }
0xba: {  	s3 =	sand.u32 $0x4000, s31;
	s1 =	sadd.s32 s1, s30  }
0xbb: {  	s0 =	sor.u32 s3, s0;
	s1 =	sshll.u32 s1, $0x11  }
0xbc: {  	s0 =	sor.u32 s1, s0  }
0xbd: {  	s0 =	sadd.s32 $0x8F2B, s0  }
0xbe: {  	[sflag:s0] =	ssyncadd.remote.s32 $0x1  }
0xbf: {  	_ =	sfence.sel $0xFFFF  }
0xc0: {  	[dreg:$0x0] =	wrdreg $0xFFFFFFFF;
	(pc) =	sbr.abs _section_cstart, $3  }
0xc1: {  	[dreg:$0x1] =	wrdreg $0xFFFFFFFF  }
0xc2: {  	_ =	task.clear_ibuf [dreg:s7], $0x2FFFF;
	_ =	strace $0x9FFFFFFF  }
0xc3: {  	(tm) =	ssettm $0x7FFFFFFF  }
tec
execute0_lowered:
.L_overlay_start_1:
0x0: {  	(tag) =	ssettag $0x1  }
0x1: {  	s7 =	rddreg [dreg:$0x0]  }
0x2: {  	s2 =	rddreg [dreg:$0x1]  }
0x3: {  	s0 =	srdreg.scid;
	s3 =	rddreg [dreg:$0x2]  }
0x4: {  	s4 =	simm.s32 $0x0;
	s17 =	simm.s32 $0x2800;
	s18 =	simm.s32 $0x80  }
0x5: {  	s19 =	simm.s32 $0x5000;
	s6 =	sand.u32 $0x1, s0;
	s0 =	stileid.u32  }
0x6: {  	s20 =	simm.s32 $0x1;
	s21 =	simm.s32 $0x0;
	s8 =	smul.u32 $0x2800, s0  }
0x7: {  	[smem:$0x7FF] =	sst s4;
	s1 =	sshll.u32 s6, $0x4;
	s9 =	smul.u32 $0x28000, s6  }
0x8: {  	s10 =	smul.u32 $0x50000, s0;
	s6 =	ssub.s32 $0x2, s6;
	s1 =	sor.u32 s0, s1  }
0x9: {  	s30 =	sshll.u32 s0, $0x6;
	s29 =	sshrl.u32 s6, $0x1;
	s5 =	smul.u32 $0x500, s1  }
0xa: {  	s1 =	rddreg [dreg:$0x3];
	_ =	strace $0x8000004A;
	s8 =	sadd.s32 s8, s9  }
0xb: {  	s28 =	sshrl.u32 s10, $0x2;
	s31 =	ssub.s32 s6, s29;
	s6 =	sor.u32 $0x1C02, s30  }
0xc: {  	s9 =	sadd.s32 s8, s7;
	s12 =	sadd.s32 s28, s3;
	s10 =	smax.u32 s31, $0x1  }
0xd: {  	s11 =	sadd.s32 s5, s7;
	s5 =	sadd.s32 $0x3D400, s7;
	s13 =	sadd.s32 $0x4000, s12  }
0xe: {  	s14 =	sadd.s32 $0x8000, s12;
	s15 =	sadd.s32 $0xC000, s12;
	s16 =	sadd.s32 $0x10000, s12  }
0xf: {  	s9 =	sadd.s32 $0x3DC00, s9;
	s7 =	sadd.s32 $0xC200, s11;
	s8 =	sadd.s32 $0x1E00, s11  }
0x10: {  	s11 =	sshrl.u32 s12, $0x3;
	s12 =	simm.s32 $0x2;
	s13 =	sshrl.u32 s13, $0x3  }
0x11: {  	s14 =	sshrl.u32 s14, $0x3;
	s15 =	sshrl.u32 s15, $0x3;
	s16 =	sshrl.u32 s16, $0x3  }
.LBB2_1:
0x12: {  	[spmem:s11], [sflag:s6] =	dma.local [hbm:s5], $0x800  }
0x13: {  	_ =	swait.ge [sflag:s12], $0x800  }
0x14: {  	[sflag:s12] =	ssyncset.done $0x0  }
0x15: {  	[sflag:s12] =	ssyncadd.s32 $0xFFFFF800  }
0x16: {  	[spmem:s13], [sflag:s6] =	dma.local [hbm:s5], $0x800  }
0x17: {  	_ =	swait.ge [sflag:s12], $0x800  }
0x18: {  	[sflag:s12] =	ssyncset.done $0x0  }
0x19: {  	[sflag:s12] =	ssyncadd.s32 $0xFFFFF800  }
0x1a: {  	[spmem:s14], [sflag:s6] =	dma.local [hbm:s5], $0x800  }
0x1b: {  	_ =	swait.ge [sflag:s12], $0x800  }
0x1c: {  	[sflag:s12] =	ssyncset.done $0x0  }
0x1d: {  	[sflag:s12] =	ssyncadd.s32 $0xFFFFF800  }
0x1e: {  	[spmem:s15], [sflag:s6] =	dma.local [hbm:s5], $0x800  }
0x1f: {  	_ =	swait.ge [sflag:s12], $0x800  }
0x20: {  	[sflag:s12] =	ssyncset.done $0x0  }
0x21: {  	[sflag:s12] =	ssyncadd.s32 $0xFFFFF800  }
0x22: {  	[spmem:s16], [sflag:s6] =	dma.local [hbm:s5], $0x800  }
0x23: {  	_ =	swait.ge [sflag:s12], $0x800  }
0x24: {  	[sflag:s12] =	ssyncset.done $0x0  }
0x25: {  	[sflag:s12] =	ssyncadd.s32 $0xFFFFF800  }
0x26: {  	[tilespmem:s4], [sflag:$0x2] =	stream.linear.gather [hbm4b:s7+s4], $0x2780, $0x38;
	[tilespmem:$0x1D000] =	vst v63  }
0x27: {  	_ =	swait.ge [sflag:s12], $0x2780  }
0x28: {  	[sflag:s12] =	ssyncset.done $0x0  }
0x29: {  	[sflag:s12] =	ssyncadd.s32 $0xFFFFD880  }
0x2a: {  	[tilespmem:s17], [sflag:$0x2] =	stream.linear.gather [hbm4b:s8+s4], $0x2780, $0x38;
	[tilespmem:$0x1D000] =	vst v63  }
0x2b: {  	_ =	swait.ge [sflag:s12], $0x2780  }
0x2c: {  	[sflag:s12] =	ssyncset.done $0x0  }
0x2d: {  	[sflag:s12] =	ssyncadd.s32 $0xFFFFD880  }
0x2e: {  	s22 =	simm.s32 $0x0;
	[bflag:$0x0] =	sbarrier.arrive $0xFFFF  }
0x2f: {  	[tilespmem:s19], [sflag:$0x1] =	stream.indirect.gather [hbm4b:s2+s18], $0x80, s22, s18, $0xb8;
	[tilespmem:$0x1D000] =	vst v63  }
0x30: {  	_ =	swait.ge [sflag:s20], $0x4000  }
0x31: {  	[sflag:s20] =	ssyncset.done $0x0  }
0x32: {  	s31 =	simm.s32 $0x2800;
	[sflag:s20] =	ssyncadd.s32 $0xFFFFC000  }
0x33: {  	[spmem:s3] =	stream.indirect.scatter.add.f32 [tilespmem:s19], [sflag:$0x2], $0x80, s31, s18, $0xb8;
	[tilespmem:$0x1D000] =	vst v63  }
0x34: {  	_ =	swait.ge [sflag:s12], $0x4000  }
0x35: {  	s23 =	simm.s32 $0x400;
	s22 =	simm.s32 $0x200;
	[sflag:s12] =	ssyncset.done $0x0  }
.LBB2_2:
0x36: {  	s24 =	sshra.s32 s22, $0x2  }
0x37: {  	[sflag:s12] =	ssyncadd.s32 $0xFFFFC000;
	s22 =	smov.u32 s23;
	s25 =	sadd.s32 $0x200, s23  }
0x38: {  	[tilespmem:s19], [sflag:$0x1] =	stream.indirect.gather [hbm4b:s2+s18], $0x80, s24, s18, $0xb8;
	[tilespmem:$0x1D000] =	vst v63  }
0x39: {  	p0 =	sne.s32 s23, $0x9C00;
	_ =	swait.ge [sflag:s20], $0x4000  }
.Ltmp0:
0x3a: {  	[sflag:s20] =	ssyncset.done $0x0;
	(pc) =	sbr.rel @p0 .LBB2_2-.Ltmp0, $4  }
0x3b: {  	s23 =	sadd.s32 $0x2800, s24;
	[sflag:s20] =	ssyncadd.s32 $0xFFFFC000  }
0x3c: {  	[spmem:s3] =	stream.indirect.scatter.add.f32 [tilespmem:s19], [sflag:$0x2], $0x80, s23, s18, $0xb8;
	[tilespmem:$0x1D000] =	vst v63  }
0x3d: {  	_ =	swait.ge [sflag:s12], $0x4000  }
0x3e: {  	s23 =	smov.u32 s25;
	[sflag:s12] =	ssyncset.done $0x0  }
0x3f: {  	s22 =	sshra.s32 s22, $0x2;
	[sflag:s12] =	ssyncadd.s32 $0xFFFFC000  }
0x40: {  	[tilespmem:s19], [sflag:$0x1] =	stream.indirect.gather [hbm4b:s2+s18], $0x80, s22, s18, $0xb8;
	[tilespmem:$0x1D000] =	vst v63  }
0x41: {  	_ =	swait.ge [sflag:s20], $0x4000  }
0x42: {  	[sflag:s20] =	ssyncset.done $0x0  }
0x43: {  	s22 =	sadd.s32 $0x2800, s22;
	[sflag:s20] =	ssyncadd.s32 $0xFFFFC000  }
0x44: {  	[spmem:s3] =	stream.indirect.scatter.add.f32 [tilespmem:s19], [sflag:$0x2], $0x80, s22, s18, $0xb8;
	[tilespmem:$0x1D000] =	vst v63  }
0x45: {  	_ =	swait.ge [sflag:s12], $0x4000  }
0x46: {  	s21 =	sadd.s32 $0x1, s21;
	[sflag:s12] =	ssyncset.done $0x0  }
0x47: {  	p0 =	sne.s32 s21, s10;
	[sflag:s12] =	ssyncadd.s32 $0xFFFFC000  }
.Ltmp1:
0x48: {  	[bflag:$0x0] =	sbarrier.arrive $0xFFFF;
	(pc) =	sbr.rel @p0 .LBB2_1-.Ltmp1, $4  }
0x49: {  	[hbm:s9], [sflag:s6] =	dma.local [spmem:s11], $0x2800  }
0x4a: {  	_ =	swait.ge [sflag:s12], $0x2800  }
0x4b: {  	[sflag:s12] =	ssyncset.done $0x0  }
0x4c: {  	[sflag:s12] =	ssyncadd.s32 $0xFFFFD800  }
0x4d: {  	_ =	sfence.sel $0x180000  }
0x4e: {  	[bflag:$0x0] =	sbarrier.arrive $0xFFFF  }
0x4f: {  	p0 =	sne.s32 s0, $0x0;
	_ =	strace $0x9000004A  }
0x50: {  	s0 =	sadd.s32 @!p0 $0x100000, s1;
	[bflag:$0x2] =	sbarrier.arrive $0xFFFF  }
0x51: {  	[sflag:s0] =	ssyncadd.tile.s32 @!p0 $0x1;
	_ =	shalt  }
.Lfunc_end2:
_tile_overlayer_lowered:
.L_overlay_start_2:
0x52: {  	(tag) =	ssettag $0x2  }
0x53: {  	s0 =	rddreg [dreg:$0x0];
	s2 =	stileid.u32  }
0x54: {  	s1 =	rddreg [dreg:$0x1];
	p0 =	sne.s32 s2, $0x0  }
0x55: {  	s3 =	rddreg [dreg:$0x2];
	[bflag:$0x3] =	sbarrier.arrive $0xFFFF;
	s2 =	simm.s32 @!p0 $0x1C02  }
0x56: {  	[timem:s3], [sflag:s2] =	dma.local @!p0 [hbm:s0], s1  }
0x57: {  	s0 =	simm.s32 @!p0 $0x2  }
0x58: {  	_ =	swait.ge @!p0 [sflag:s0], s1  }
0x59: {  	s1 =	ssub.s32 @!p0 $0x0, s1;
	[sflag:s0] =	ssyncset.done @!p0 $0x0  }
0x5a: {  	[sflag:s0] =	ssyncadd.s32 @!p0 s1  }
0x5b: {  	[bflag:$0x3] =	sbarrier.arrive $0xFFFF  }
0x5c: {  	_ =	shalt  }

</sc_bundles>
